<compile_context>
chip_gen: v7x
topology: tpu7x:2x2x1
jax: 0.10.2.dev20260603
libtpu: 0.0.44.dev20260713+nightly
codegen_flags: <defaults>
</compile_context>

<pallas_src>
import functools

import jax
import jax.numpy as jnp
from jax import lax
from jax.experimental import pallas as pl
from jax.experimental.pallas import tpu as pltpu
from jax.experimental.pallas import tpu_sc as plsc

N_TOK = 8192
INPUT_DIM = 1024
V_DIM = 32
K_DIM = 256
HEADS = 4
KNN = 32
N_KEYS = 1024
HALF = K_DIM // 2

NEG = -1e30
BIG = 1 << 30

_WIDTHS = [KNN // (i + 1) for i in range(KNN)]
_NCAND = sum(_WIDTHS)
_CPAD = 128 - _NCAND

T_A = 128
T_C = 128


def _topk_t(s, k):
    L, R = s.shape
    iota = lax.broadcasted_iota(jnp.int32, (L, R), 0)
    iota_k = lax.broadcasted_iota(jnp.int32, (k, R), 0)
    vals0 = jnp.zeros((k, R), jnp.float32)
    idxs0 = jnp.zeros((k, R), jnp.int32)

    def body(t, carry):
        cur, vals, idxs = carry
        m = jnp.max(cur, axis=0, keepdims=True)
        pos = jnp.min(jnp.where(cur == m, iota, BIG), axis=0, keepdims=True)
        hot = iota_k == t
        vals = jnp.where(hot, m, vals)
        idxs = jnp.where(hot, pos, idxs)
        cur = jnp.where(iota == pos, NEG, cur)
        return cur, vals, idxs

    _, vals, idxs = lax.fori_loop(0, k, body, (s, vals0, idxs0))
    return vals, idxs


def _topk_t_payload(s, payload, k):
    L, R = s.shape
    iota = lax.broadcasted_iota(jnp.int32, (L, R), 0)
    iota_k = lax.broadcasted_iota(jnp.int32, (k, R), 0)
    vals0 = jnp.zeros((k, R), jnp.float32)
    pay0 = jnp.zeros((k, R), jnp.int32)

    def body(t, carry):
        cur, vals, pays = carry
        m = jnp.max(cur, axis=0, keepdims=True)
        pos = jnp.min(jnp.where(cur == m, iota, BIG), axis=0, keepdims=True)
        sel = iota == pos
        p = jnp.sum(jnp.where(sel, payload, 0), axis=0, keepdims=True)
        hot = iota_k == t
        vals = jnp.where(hot, m, vals)
        pays = jnp.where(hot, p, pays)
        cur = jnp.where(sel, NEG, cur)
        return cur, vals, pays

    _, vals, pays = lax.fori_loop(0, k, body, (s, vals0, pay0))
    return vals, pays


def _stage_a_body(xt_ref, wq_ref, bq_ref, k1_ref, k2_ref, w_ref, idx_ref):
    qt = jnp.dot(wq_ref[...], xt_ref[...],
                 preferred_element_type=jnp.float32) + bq_ref[...]

    k1 = k1_ref[...]
    k2 = k2_ref[...]
    s1_list = []
    s2_list = []
    for h in range(HEADS):
        q1h = qt[h * K_DIM:h * K_DIM + HALF, :]
        q2h = qt[h * K_DIM + HALF:(h + 1) * K_DIM, :]
        s1_list.append(jnp.dot(k1[h], q1h, preferred_element_type=jnp.float32))
        s2_list.append(jnp.dot(k2[h], q2h, preferred_element_type=jnp.float32))
    s1 = jnp.concatenate(s1_list, axis=1)
    s2 = jnp.concatenate(s2_list, axis=1)

    v1, i1 = _topk_t(s1, KNN)
    v2, i2 = _topk_t(s2, KNN)

    R = HEADS * T_A
    cv = []
    ci = []
    for i in range(KNN):
        wdt = _WIDTHS[i]
        cv.append(v1[i:i + 1, :] + v2[:wdt, :])
        ci.append(i1[i:i + 1, :] * N_KEYS + i2[:wdt, :])
    cv.append(jnp.full((_CPAD, R), NEG, jnp.float32))
    ci.append(jnp.zeros((_CPAD, R), jnp.int32))
    cand_v = jnp.concatenate(cv, axis=0)
    cand_i = jnp.concatenate(ci, axis=0)

    best_v, best_i = _topk_t_payload(cand_v, cand_i, KNN)

    e = jnp.exp(best_v - best_v[0:1, :])
    w = e / jnp.sum(e, axis=0, keepdims=True)

    for h in range(HEADS):
        w_ref[h * KNN:(h + 1) * KNN, :] = w[:, h * T_A:(h + 1) * T_A]
        idx_ref[h * KNN:(h + 1) * KNN, :] = best_i[:, h * T_A:(h + 1) * T_A]


def _stage_a(xt, Wq, bq2, k1, k2):
    n = xt.shape[1]
    grid = (n // T_A,)
    return pl.pallas_call(
        _stage_a_body,
        grid=grid,
        in_specs=[
            pl.BlockSpec((INPUT_DIM, T_A), lambda i: (0, i)),
            pl.BlockSpec((HEADS * K_DIM, INPUT_DIM), lambda i: (0, 0)),
            pl.BlockSpec((HEADS * K_DIM, 1), lambda i: (0, 0)),
            pl.BlockSpec((HEADS, N_KEYS, HALF), lambda i: (0, 0, 0)),
            pl.BlockSpec((HEADS, N_KEYS, HALF), lambda i: (0, 0, 0)),
        ],
        out_specs=[
            pl.BlockSpec((HEADS * KNN, T_A), lambda i: (0, i)),
            pl.BlockSpec((HEADS * KNN, T_A), lambda i: (0, i)),
        ],
        out_shape=[
            jax.ShapeDtypeStruct((HEADS * KNN, n), jnp.float32),
            jax.ShapeDtypeStruct((HEADS * KNN, n), jnp.int32),
        ],
    )(xt, Wq, bq2, k1, k2)



_NC = 2
_NS = 16
_NW = _NC * _NS
_ROWS = N_TOK * HEADS * KNN
_RPW = _ROWS // _NW
_CHUNK = 2048
_NCHUNK = _RPW // _CHUNK


def _sc_gather(values, idx_flat):
    mesh = plsc.VectorSubcoreMesh(core_axis_name="c", subcore_axis_name="s")

    @functools.partial(
        pl.kernel,
        out_type=jax.ShapeDtypeStruct((_ROWS, V_DIM), jnp.float32),
        mesh=mesh,
        scratch_types=[
            pltpu.VMEM((_CHUNK,), jnp.int32),
            pltpu.VMEM((_CHUNK, V_DIM), jnp.float32),
            pltpu.SemaphoreType.DMA,
        ],
        compiler_params=pltpu.CompilerParams(use_tc_tiling_on_sc=False),
    )
    def gather_kernel(values_hbm, idx_hbm, out_hbm, idx_v, rows_v, sem):
        wid = lax.axis_index("s") * _NC + lax.axis_index("c")
        base = wid * _RPW

        def body(c, _):
            off = base + c * _CHUNK
            pltpu.sync_copy(idx_hbm.at[pl.ds(off, _CHUNK)], idx_v)
            pltpu.async_copy(values_hbm.at[idx_v], rows_v, sem).wait()
            pltpu.sync_copy(rows_v, out_hbm.at[pl.ds(off, _CHUNK)])
            return 0

        lax.fori_loop(0, _NCHUNK, body, 0)

    return gather_kernel(values, idx_flat)



def _stage_c_body(vals_ref, w_ref, x_ref, wrt_ref, br_ref, o_ref):
    v = vals_ref[...]
    w = w_ref[...][:, :, None]
    mem = jnp.sum(v * w, axis=0)
    y = jnp.dot(mem, wrt_ref[...], preferred_element_type=jnp.float32)
    o_ref[...] = y + br_ref[...] + x_ref[...]


def _stage_c(vals3, wt, x, WrT, br2):
    n = x.shape[0]
    grid = (n // T_C,)
    J = HEADS * KNN
    return pl.pallas_call(
        _stage_c_body,
        grid=grid,
        in_specs=[
            pl.BlockSpec((J, T_C, V_DIM), lambda i: (0, i, 0)),
            pl.BlockSpec((J, T_C), lambda i: (0, i)),
            pl.BlockSpec((T_C, INPUT_DIM), lambda i: (i, 0)),
            pl.BlockSpec((V_DIM, INPUT_DIM), lambda i: (0, 0)),
            pl.BlockSpec((1, INPUT_DIM), lambda i: (0, 0)),
        ],
        out_specs=pl.BlockSpec((T_C, INPUT_DIM), lambda i: (i, 0)),
        out_shape=jax.ShapeDtypeStruct((n, INPUT_DIM), jnp.float32),
    )(vals3, wt, x, WrT, br2)


def kernel(x, Wq, bq, keys, values, Wr, br):
    n = x.shape[0]
    xt = x.T
    bq2 = bq.reshape(HEADS * K_DIM, 1)
    k1 = keys[:, 0]
    k2 = keys[:, 1]
    WrT = Wr.T
    br2 = br.reshape(1, INPUT_DIM)

    wt, idxt = _stage_a(xt, Wq, bq2, k1, k2)
    idx_flat = idxt.reshape(_ROWS)
    vals = _sc_gather(values, idx_flat)
    vals3 = vals.reshape(HEADS * KNN, n, V_DIM)
    return _stage_c(vals3, wt, x, WrT, br2)

# --- scband reference (transcript-rebuilt; emitter-appended) ---
"""Pipeline reference for scband-skip-hashing-memory-34763465294229 (READ-ONLY COPY).

The authoritative reference and input builder live on the scoring server;
editing this copy changes nothing except your own understanding.
"""

import jax, jax.numpy as jnp
import numpy as np

N_TOK = 8192
INPUT_DIM = 1024
V_DIM = 32
K_DIM = 256
HEADS = 4
KNN = 32
N_KEYS = 1024
HALF = K_DIM // 2


def setup_inputs(seed: int = 0) -> dict:
    key = jax.random.key(seed)
    ks = jax.random.split(key, 7)
    x = jax.random.normal(ks[0], (N_TOK, INPUT_DIM), dtype=jnp.float32)
    # query network: Linear(input_dim -> heads * k_dim)
    Wq = jax.random.normal(ks[1], (HEADS * K_DIM, INPUT_DIM), dtype=jnp.float32) * (1.0 / np.sqrt(INPUT_DIM))
    bq = jnp.zeros((HEADS * K_DIM,), dtype=jnp.float32)
    # product sub-keys: [heads, 2, n_keys, k_dim//2]
    keys = jax.random.normal(ks[2], (HEADS, 2, N_KEYS, HALF), dtype=jnp.float32) * (1.0 / np.sqrt(HALF))
    # values table: [n_keys**2, v_dim]
    values = jax.random.normal(ks[3], (N_KEYS * N_KEYS, V_DIM), dtype=jnp.float32) * (1.0 / np.sqrt(V_DIM))
    # reproj: Linear(v_dim -> input_dim)
    Wr = jax.random.normal(ks[4], (INPUT_DIM, V_DIM), dtype=jnp.float32) * (1.0 / np.sqrt(V_DIM))
    br = jnp.zeros((INPUT_DIM,), dtype=jnp.float32)
    return {"x": x, "Wq": Wq, "bq": bq, "keys": keys, "values": values, "Wr": Wr, "br": br}


def reference(x, Wq, bq, keys, values, Wr, br):
    N = x.shape[0]
    # query projection
    q = x @ Wq.T + bq                                  # [N, H*K]
    q = q.reshape(N, HEADS, K_DIM)
    q1 = q[:, :, :HALF]                                # [N, H, HALF]
    q2 = q[:, :, HALF:]
    # scores against each sub-key set
    s1 = jnp.einsum('nhd,hkd->nhk', q1, keys[:, 0])    # [N, H, N_KEYS]
    s2 = jnp.einsum('nhd,hkd->nhk', q2, keys[:, 1])
    s1v, i1 = jax.lax.top_k(s1, KNN)                   # [N, H, KNN]
    s2v, i2 = jax.lax.top_k(s2, KNN)
    # cartesian product of candidates
    all_sc = s1v[:, :, :, None] + s2v[:, :, None, :]   # [N, H, KNN, KNN]
    all_idx = i1[:, :, :, None] * N_KEYS + i2[:, :, None, :]
    all_sc = all_sc.reshape(N, HEADS, KNN * KNN)
    all_idx = all_idx.reshape(N, HEADS, KNN * KNN)
    best_sc, best_pos = jax.lax.top_k(all_sc, KNN)     # [N, H, KNN]
    best_idx = jnp.take_along_axis(all_idx, best_pos, axis=2)
    w = jax.nn.softmax(best_sc, axis=-1)               # [N, H, KNN]
    # weighted gather from values table (EmbeddingBag sum with per-sample weights)
    vals = jnp.take(values, best_idx, axis=0)          # [N, H, KNN, V_DIM]
    mem_out = jnp.sum(w[..., None] * vals, axis=(1, 2))  # [N, V_DIM]
    # reproj + residual
    y = mem_out @ Wr.T + br                            # [N, INPUT_DIM]
    return x + y

if __name__ == "__main__":
    import jax
    _d = setup_inputs()
    print(jax.jit(kernel)(*tuple(_d.values())))

</pallas_src>

<mosaic_0001>
#map = affine_map<(d0, d1) -> (0, 0)>
#map1 = affine_map<(d0, d1) -> (0)>
module attributes {stable_mosaic.version = 14 : i64} {
  func.func @gather_kernel(%arg0: i32, %arg1: i32, %arg2: memref<1048576x32xf32, #tpu.memory_space<hbm>>, %arg3: memref<1048576xi32, #tpu.memory_space<hbm>>, %arg4: memref<1048576x32xf32, #tpu.memory_space<hbm>>, %arg5: memref<2048xi32, #tpu.memory_space<vmem>>, %arg6: memref<2048x32xf32, #tpu.memory_space<vmem>>, %arg7: memref<!tpu.dma_semaphore, #tpu.memory_space<semaphore_mem>>) attributes {dimension_semantics = [#tpu.dimension_semantics<core_parallel>, #tpu.dimension_semantics<subcore_parallel>], iteration_bounds = array<i64: 2, 16>, scalar_prefetch = 0 : i64, scratch_operands = 3 : i64, tpu.core_type = #tpu.core_type<sc_vector_subcore>, window_params = [{transform_indices = #map}, {transform_indices = #map1}, {transform_indices = #map}]} {
    %mul3A = arith.constant 2 : i32
    %mul3A_0 = arith.muli %arg1, %mul3A : i32
    %add3A = arith.addi %mul3A_0, %arg0 : i32
    %mul3A_1 = arith.constant 32768 : i32
    %mul3A_2 = arith.muli %add3A, %mul3A_1 : i32
    %scan3A = arith.constant 0 : i32
    %scan3A_3 = arith.constant 0 : i32
    %scan3A_4 = arith.constant 16 : i32
    %scan3A_5 = arith.addi %scan3A_3, %scan3A_4 : i32
    %scan3A_6 = arith.constant 1 : i32
    %scan3A_7 = scf.for %scan3A_9 = %scan3A_3 to %scan3A_5 step %scan3A_6 iter_args(%scan3A_10 = %scan3A) -> (i32)  : i32 {
      %mul3A_11 = arith.constant 2048 : i32
      %mul3A_12 = arith.muli %scan3A_9, %mul3A_11 : i32
      %add3A_13 = arith.addi %mul3A_2, %mul3A_12 : i32
      "tpu.region"() ({
        %run_scoped3A = tpu.sem_alloc : memref<!tpu.dma_semaphore, #tpu.memory_space<semaphore_mem>>
        %dma_start3A_19 = tpu.memref_slice %arg3[%add3A_13] : memref<1048576xi32, #tpu.memory_space<hbm>> -> memref<2048xi32, #tpu.memory_space<hbm>>
        %dma_start3A_20 = tpu.memref_slice %arg3[%add3A_13] : memref<1048576xi32, #tpu.memory_space<hbm>> -> memref<2048xi32, #tpu.memory_space<hbm>>
        tpu.enqueue_dma source(%dma_start3A_20 : memref<2048xi32, #tpu.memory_space<hbm>>) target(%arg5 : memref<2048xi32, #tpu.memory_space<vmem>>) target_semaphore(%run_scoped3A : memref<!tpu.dma_semaphore, #tpu.memory_space<semaphore_mem>>)
        %dma_wait3A_21 = tpu.memref_slice %arg3[%add3A_13] : memref<1048576xi32, #tpu.memory_space<hbm>> -> memref<2048xi32, #tpu.memory_space<hbm>>
        %dma_wait3A_22 = tpu.memref_slice %arg3[%add3A_13] : memref<1048576xi32, #tpu.memory_space<hbm>> -> memref<2048xi32, #tpu.memory_space<hbm>>
        tpu.wait_dma2 semaphore(%run_scoped3A : memref<!tpu.dma_semaphore, #tpu.memory_space<semaphore_mem>>) src(%dma_wait3A_22 : memref<2048xi32, #tpu.memory_space<hbm>>) dst(%arg5 : memref<2048xi32, #tpu.memory_space<vmem>>)
        tpu.yield
      }) : () -> ()
      %dma_start3A = arith.constant 0 : i32
      %dma_start3A_14 = arith.constant 0 : i32
      %dma_start3A_15 = tpu.memref_slice %arg2[%dma_start3A, %dma_start3A_14] : memref<1048576x32xf32, #tpu.memory_space<hbm>> -> memref<1048576x32xf32, #tpu.memory_space<hbm>>
      tpu.enqueue_indirect_dma source(%dma_start3A_15 : memref<1048576x32xf32, #tpu.memory_space<hbm>>) target(%arg6 : memref<2048x32xf32, #tpu.memory_space<vmem>>) offsets(%arg5 : memref<2048xi32, #tpu.memory_space<vmem>>) semaphore(%arg7 : memref<!tpu.dma_semaphore, #tpu.memory_space<semaphore_mem>>)
      %dma_wait3A = arith.constant 0 : i32
      %dma_wait3A_16 = arith.constant 0 : i32
      %dma_wait3A_17 = tpu.memref_slice %arg2[%dma_wait3A, %dma_wait3A_16] : memref<1048576x32xf32, #tpu.memory_space<hbm>> -> memref<1048576x32xf32, #tpu.memory_space<hbm>>
      tpu.wait_indirect_dma semaphore(%arg7 : memref<!tpu.dma_semaphore, #tpu.memory_space<semaphore_mem>>) src(%dma_wait3A_17 : memref<1048576x32xf32, #tpu.memory_space<hbm>>) dst(%arg6 : memref<2048x32xf32, #tpu.memory_space<vmem>>)
      "tpu.region"() ({
        %run_scoped3A = tpu.sem_alloc : memref<!tpu.dma_semaphore, #tpu.memory_space<semaphore_mem>>
        %dma_start3A_19 = arith.constant 0 : i32
        %dma_start3A_20 = tpu.memref_slice %arg4[%add3A_13, %dma_start3A_19] : memref<1048576x32xf32, #tpu.memory_space<hbm>> -> memref<2048x32xf32, #tpu.memory_space<hbm>>
        %dma_start3A_21 = arith.constant 0 : i32
        %dma_start3A_22 = tpu.memref_slice %arg4[%add3A_13, %dma_start3A_21] : memref<1048576x32xf32, #tpu.memory_space<hbm>> -> memref<2048x32xf32, #tpu.memory_space<hbm>>
        tpu.enqueue_dma source(%arg6 : memref<2048x32xf32, #tpu.memory_space<vmem>>) target(%dma_start3A_22 : memref<2048x32xf32, #tpu.memory_space<hbm>>) target_semaphore(%run_scoped3A : memref<!tpu.dma_semaphore, #tpu.memory_space<semaphore_mem>>)
        %dma_wait3A_23 = arith.constant 0 : i32
        %dma_wait3A_24 = tpu.memref_slice %arg4[%add3A_13, %dma_wait3A_23] : memref<1048576x32xf32, #tpu.memory_space<hbm>> -> memref<2048x32xf32, #tpu.memory_space<hbm>>
        %dma_wait3A_25 = arith.constant 0 : i32
        %dma_wait3A_26 = tpu.memref_slice %arg4[%add3A_13, %dma_wait3A_25] : memref<1048576x32xf32, #tpu.memory_space<hbm>> -> memref<2048x32xf32, #tpu.memory_space<hbm>>
        tpu.wait_dma2 semaphore(%run_scoped3A : memref<!tpu.dma_semaphore, #tpu.memory_space<semaphore_mem>>) src(%arg6 : memref<2048x32xf32, #tpu.memory_space<vmem>>) dst(%dma_wait3A_26 : memref<2048x32xf32, #tpu.memory_space<hbm>>)
        tpu.yield
      }) : () -> ()
      %scan3A_18 = arith.constant 0 : i32
      scf.yield %scan3A_18 : i32
    }
    %scan3A_8 = arith.constant 16 : i32
    return
  }
}

module attributes {stable_mosaic.version = 14 : i64} {
  func.func @_stage_a_body(%arg0: i32, %arg1: memref<1024x128xf32, #tpu.memory_space<vmem>>, %arg2: memref<1024x1024xf32, #tpu.memory_space<vmem>>, %arg3: memref<1024x1xf32, #tpu.memory_space<vmem>>, %arg4: memref<4x1024x128xf32, #tpu.memory_space<vmem>>, %arg5: memref<4x1024x128xf32, #tpu.memory_space<vmem>>, %arg6: memref<128x128xf32, #tpu.memory_space<vmem>>, %arg7: memref<128x128xi32, #tpu.memory_space<vmem>>) attributes {dimension_semantics = [#tpu.dimension_semantics<arbitrary>], iteration_bounds = array<i64: 64>, scalar_prefetch = 0 : i64, scratch_operands = 0 : i64, tpu.core_type = #tpu.core_type<tc>, window_params = [{transform_indices = @transform_0, window_bounds = array<i64: 1024, 128>}, {pipeline_mode = #tpu.pipeline_mode<synchronous>, transform_indices = @transform_1, window_bounds = array<i64: 1024, 1024>}, {pipeline_mode = #tpu.pipeline_mode<synchronous>, transform_indices = @transform_2, window_bounds = array<i64: 1024, 1>}, {pipeline_mode = #tpu.pipeline_mode<synchronous>, transform_indices = @transform_3, window_bounds = array<i64: 4, 1024, 128>}, {pipeline_mode = #tpu.pipeline_mode<synchronous>, transform_indices = @transform_4, window_bounds = array<i64: 4, 1024, 128>}, {transform_indices = @transform_5, window_bounds = array<i64: 128, 128>}, {transform_indices = @transform_6, window_bounds = array<i64: 128, 128>}]} {
    %get3A = arith.constant 0 : index
    %get3A_0 = arith.constant 0 : index
    %get3A_1 = vector.load %arg2[%get3A, %get3A_0] : memref<1024x1024xf32, #tpu.memory_space<vmem>>, vector<1024x1024xf32>
    %get3A_2 = arith.constant 0 : index
    %get3A_3 = arith.constant 0 : index
    %get3A_4 = vector.load %arg1[%get3A_2, %get3A_3] : memref<1024x128xf32, #tpu.memory_space<vmem>>, vector<1024x128xf32>
    %dot_general3A = arith.constant dense<0.000000e+00> : vector<1024x128xf32>
    %dot_general3A_5 = tpu.matmul %get3A_1, %get3A_4, %dot_general3A {dimension_numbers = #tpu.dot_dimension_numbers<[1], [0], [0], [1], [0, 0, 1, 1], [], []>, transpose_lhs_hint = false} : vector<1024x1024xf32>, vector<1024x128xf32>, vector<1024x128xf32> -> vector<1024x128xf32>
    %get3A_6 = arith.constant 0 : index
    %get3A_7 = arith.constant 0 : index
    %get3A_8 = vector.load %arg3[%get3A_6, %get3A_7] : memref<1024x1xf32, #tpu.memory_space<vmem>>, vector<1024x1xf32>
    %add3A = vector.broadcast %get3A_8 : vector<1024x1xf32> to vector<1024x128xf32>
    %add3A_9 = arith.addf %dot_general3A_5, %add3A : vector<1024x128xf32>
    %get3A_10 = arith.constant 0 : index
    %get3A_11 = arith.constant 0 : index
    %get3A_12 = arith.constant 0 : index
    %get3A_13 = vector.load %arg4[%get3A_10, %get3A_11, %get3A_12] : memref<4x1024x128xf32, #tpu.memory_space<vmem>>, vector<4x1024x128xf32>
    %get3A_14 = arith.constant 0 : index
    %get3A_15 = arith.constant 0 : index
    %get3A_16 = arith.constant 0 : index
    %get3A_17 = vector.load %arg5[%get3A_14, %get3A_15, %get3A_16] : memref<4x1024x128xf32, #tpu.memory_space<vmem>>, vector<4x1024x128xf32>
    %slice3A = vector.extract_strided_slice %add3A_9 {offsets = [0, 0], sizes = [128, 128], strides = [1, 1]} : vector<1024x128xf32> to vector<128x128xf32>
    %slice3A_18 = vector.extract_strided_slice %add3A_9 {offsets = [128, 0], sizes = [128, 128], strides = [1, 1]} : vector<1024x128xf32> to vector<128x128xf32>
    %slice3A_19 = vector.extract_strided_slice %get3A_13 {offsets = [0, 0, 0], sizes = [1, 1024, 128], strides = [1, 1, 1]} : vector<4x1024x128xf32> to vector<1x1024x128xf32>
    %squeeze3A = vector.shape_cast %slice3A_19 : vector<1x1024x128xf32> to vector<1024x128xf32>
    %dot_general3A_20 = arith.constant dense<0.000000e+00> : vector<1024x128xf32>
    %dot_general3A_21 = tpu.matmul %squeeze3A, %slice3A, %dot_general3A_20 {dimension_numbers = #tpu.dot_dimension_numbers<[1], [0], [0], [1], [0, 0, 1, 1], [], []>, transpose_lhs_hint = false} : vector<1024x128xf32>, vector<128x128xf32>, vector<1024x128xf32> -> vector<1024x128xf32>
    %slice3A_22 = vector.extract_strided_slice %get3A_17 {offsets = [0, 0, 0], sizes = [1, 1024, 128], strides = [1, 1, 1]} : vector<4x1024x128xf32> to vector<1x1024x128xf32>
    %squeeze3A_23 = vector.shape_cast %slice3A_22 : vector<1x1024x128xf32> to vector<1024x128xf32>
    %dot_general3A_24 = arith.constant dense<0.000000e+00> : vector<1024x128xf32>
    %dot_general3A_25 = tpu.matmul %squeeze3A_23, %slice3A_18, %dot_general3A_24 {dimension_numbers = #tpu.dot_dimension_numbers<[1], [0], [0], [1], [0, 0, 1, 1], [], []>, transpose_lhs_hint = false} : vector<1024x128xf32>, vector<128x128xf32>, vector<1024x128xf32> -> vector<1024x128xf32>
    %slice3A_26 = vector.extract_strided_slice %add3A_9 {offsets = [256, 0], sizes = [128, 128], strides = [1, 1]} : vector<1024x128xf32> to vector<128x128xf32>
    %slice3A_27 = vector.extract_strided_slice %add3A_9 {offsets = [384, 0], sizes = [128, 128], strides = [1, 1]} : vector<1024x128xf32> to vector<128x128xf32>
    %slice3A_28 = vector.extract_strided_slice %get3A_13 {offsets = [1, 0, 0], sizes = [1, 1024, 128], strides = [1, 1, 1]} : vector<4x1024x128xf32> to vector<1x1024x128xf32>
    %squeeze3A_29 = vector.shape_cast %slice3A_28 : vector<1x1024x128xf32> to vector<1024x128xf32>
    %dot_general3A_30 = arith.constant dense<0.000000e+00> : vector<1024x128xf32>
    %dot_general3A_31 = tpu.matmul %squeeze3A_29, %slice3A_26, %dot_general3A_30 {dimension_numbers = #tpu.dot_dimension_numbers<[1], [0], [0], [1], [0, 0, 1, 1], [], []>, transpose_lhs_hint = false} : vector<1024x128xf32>, vector<128x128xf32>, vector<1024x128xf32> -> vector<1024x128xf32>
    %slice3A_32 = vector.extract_strided_slice %get3A_17 {offsets = [1, 0, 0], sizes = [1, 1024, 128], strides = [1, 1, 1]} : vector<4x1024x128xf32> to vector<1x1024x128xf32>
    %squeeze3A_33 = vector.shape_cast %slice3A_32 : vector<1x1024x128xf32> to vector<1024x128xf32>
    %dot_general3A_34 = arith.constant dense<0.000000e+00> : vector<1024x128xf32>
    %dot_general3A_35 = tpu.matmul %squeeze3A_33, %slice3A_27, %dot_general3A_34 {dimension_numbers = #tpu.dot_dimension_numbers<[1], [0], [0], [1], [0, 0, 1, 1], [], []>, transpose_lhs_hint = false} : vector<1024x128xf32>, vector<128x128xf32>, vector<1024x128xf32> -> vector<1024x128xf32>
    %slice3A_36 = vector.extract_strided_slice %add3A_9 {offsets = [512, 0], sizes = [128, 128], strides = [1, 1]} : vector<1024x128xf32> to vector<128x128xf32>
    %slice3A_37 = vector.extract_strided_slice %add3A_9 {offsets = [640, 0], sizes = [128, 128], strides = [1, 1]} : vector<1024x128xf32> to vector<128x128xf32>
    %slice3A_38 = vector.extract_strided_slice %get3A_13 {offsets = [2, 0, 0], sizes = [1, 1024, 128], strides = [1, 1, 1]} : vector<4x1024x128xf32> to vector<1x1024x128xf32>
    %squeeze3A_39 = vector.shape_cast %slice3A_38 : vector<1x1024x128xf32> to vector<1024x128xf32>
    %dot_general3A_40 = arith.constant dense<0.000000e+00> : vector<1024x128xf32>
    %dot_general3A_41 = tpu.matmul %squeeze3A_39, %slice3A_36, %dot_general3A_40 {dimension_numbers = #tpu.dot_dimension_numbers<[1], [0], [0], [1], [0, 0, 1, 1], [], []>, transpose_lhs_hint = false} : vector<1024x128xf32>, vector<128x128xf32>, vector<1024x128xf32> -> vector<1024x128xf32>
    %slice3A_42 = vector.extract_strided_slice %get3A_17 {offsets = [2, 0, 0], sizes = [1, 1024, 128], strides = [1, 1, 1]} : vector<4x1024x128xf32> to vector<1x1024x128xf32>
    %squeeze3A_43 = vector.shape_cast %slice3A_42 : vector<1x1024x128xf32> to vector<1024x128xf32>
    %dot_general3A_44 = arith.constant dense<0.000000e+00> : vector<1024x128xf32>
    %dot_general3A_45 = tpu.matmul %squeeze3A_43, %slice3A_37, %dot_general3A_44 {dimension_numbers = #tpu.dot_dimension_numbers<[1], [0], [0], [1], [0, 0, 1, 1], [], []>, transpose_lhs_hint = false} : vector<1024x128xf32>, vector<128x128xf32>, vector<1024x128xf32> -> vector<1024x128xf32>
    %slice3A_46 = vector.extract_strided_slice %add3A_9 {offsets = [768, 0], sizes = [128, 128], strides = [1, 1]} : vector<1024x128xf32> to vector<128x128xf32>
    %slice3A_47 = vector.extract_strided_slice %add3A_9 {offsets = [896, 0], sizes = [128, 128], strides = [1, 1]} : vector<1024x128xf32> to vector<128x128xf32>
    %slice3A_48 = vector.extract_strided_slice %get3A_13 {offsets = [3, 0, 0], sizes = [1, 1024, 128], strides = [1, 1, 1]} : vector<4x1024x128xf32> to vector<1x1024x128xf32>
    %squeeze3A_49 = vector.shape_cast %slice3A_48 : vector<1x1024x128xf32> to vector<1024x128xf32>
    %dot_general3A_50 = arith.constant dense<0.000000e+00> : vector<1024x128xf32>
    %dot_general3A_51 = tpu.matmul %squeeze3A_49, %slice3A_46, %dot_general3A_50 {dimension_numbers = #tpu.dot_dimension_numbers<[1], [0], [0], [1], [0, 0, 1, 1], [], []>, transpose_lhs_hint = false} : vector<1024x128xf32>, vector<128x128xf32>, vector<1024x128xf32> -> vector<1024x128xf32>
    %slice3A_52 = vector.extract_strided_slice %get3A_17 {offsets = [3, 0, 0], sizes = [1, 1024, 128], strides = [1, 1, 1]} : vector<4x1024x128xf32> to vector<1x1024x128xf32>
    %squeeze3A_53 = vector.shape_cast %slice3A_52 : vector<1x1024x128xf32> to vector<1024x128xf32>
    %dot_general3A_54 = arith.constant dense<0.000000e+00> : vector<1024x128xf32>
    %dot_general3A_55 = tpu.matmul %squeeze3A_53, %slice3A_47, %dot_general3A_54 {dimension_numbers = #tpu.dot_dimension_numbers<[1], [0], [0], [1], [0, 0, 1, 1], [], []>, transpose_lhs_hint = false} : vector<1024x128xf32>, vector<128x128xf32>, vector<1024x128xf32> -> vector<1024x128xf32>
    %concatenate3A = tpu.concatenate %dot_general3A_21, %dot_general3A_31, %dot_general3A_41, %dot_general3A_51 in 1 : vector<1024x128xf32>, vector<1024x128xf32>, vector<1024x128xf32>, vector<1024x128xf32> -> vector<1024x512xf32>
    %concatenate3A_56 = tpu.concatenate %dot_general3A_25, %dot_general3A_35, %dot_general3A_45, %dot_general3A_55 in 1 : vector<1024x128xf32>, vector<1024x128xf32>, vector<1024x128xf32>, vector<1024x128xf32> -> vector<1024x512xf32>
    %iota3A = tpu.iota {dimensions = array<i32: 0>} : vector<1024x512xi32>
    %iota3A_57 = tpu.iota {dimensions = array<i32: 0>} : vector<32x512xi32>
    %broadcast_in_dim3A = arith.constant 0.000000e+00 : f32
    %broadcast_in_dim3A_58 = vector.broadcast %broadcast_in_dim3A : f32 to vector<32x512xf32>
    %broadcast_in_dim3A_59 = arith.constant 0 : i32
    %broadcast_in_dim3A_60 = vector.broadcast %broadcast_in_dim3A_59 : i32 to vector<32x512xi32>
    %scan3A = arith.constant 0 : i32
    %scan3A_61 = arith.constant 32 : i32
    %scan3A_62 = arith.addi %scan3A, %scan3A_61 : i32
    %scan3A_63 = arith.constant 1 : i32
    %scan3A_64:3 = scf.for %scan3A_449 = %scan3A to %scan3A_62 step %scan3A_63 iter_args(%scan3A_450 = %concatenate3A, %scan3A_451 = %broadcast_in_dim3A_58, %scan3A_452 = %broadcast_in_dim3A_60) -> (vector<1024x512xf32>, vector<32x512xf32>, vector<32x512xi32>)  : i32 {
      %reduce_max3A = arith.constant dense<0xFF800000> : vector<512xf32>
      %reduce_max3A_453 = vector.multi_reduction <maximumf>, %scan3A_450, %reduce_max3A [0] : vector<1024x512xf32> to vector<512xf32>
      %broadcast_in_dim3A_454 = vector.shape_cast %reduce_max3A_453 : vector<512xf32> to vector<1x512xf32>
      %eq3A = vector.broadcast %broadcast_in_dim3A_454 : vector<1x512xf32> to vector<1024x512xf32>
      %eq3A_455 = arith.cmpf oeq, %scan3A_450, %eq3A : vector<1024x512xf32>
      %jit3A = arith.constant 1073741824 : i32
      %broadcast_in_dim3A_456 = vector.broadcast %jit3A : i32 to vector<1024x512xi32>
      %select_n3A = arith.select %eq3A_455, %iota3A, %broadcast_in_dim3A_456 : vector<1024x512xi1>, vector<1024x512xi32>
      %reduce_min3A = arith.constant dense<2147483647> : vector<512xi32>
      %reduce_min3A_457 = vector.multi_reduction <minsi>, %select_n3A, %reduce_min3A [0] : vector<1024x512xi32> to vector<512xi32>
      %broadcast_in_dim3A_458 = vector.shape_cast %reduce_min3A_457 : vector<512xi32> to vector<1x512xi32>
      %eq3A_459 = vector.broadcast %scan3A_449 : i32 to vector<32x512xi32>
      %eq3A_460 = arith.cmpi eq, %iota3A_57, %eq3A_459 : vector<32x512xi32>
      %broadcast_in_dim3A_461 = vector.shape_cast %broadcast_in_dim3A_454 : vector<1x512xf32> to vector<1x512xf32>
      %broadcast_in_dim3A_462 = vector.broadcast %broadcast_in_dim3A_461 : vector<1x512xf32> to vector<32x512xf32>
      %select_n3A_463 = arith.select %eq3A_460, %broadcast_in_dim3A_462, %scan3A_451 : vector<32x512xi1>, vector<32x512xf32>
      %broadcast_in_dim3A_464 = vector.shape_cast %broadcast_in_dim3A_458 : vector<1x512xi32> to vector<1x512xi32>
      %broadcast_in_dim3A_465 = vector.broadcast %broadcast_in_dim3A_464 : vector<1x512xi32> to vector<32x512xi32>
      %select_n3A_466 = arith.select %eq3A_460, %broadcast_in_dim3A_465, %scan3A_452 : vector<32x512xi1>, vector<32x512xi32>
      %eq3A_467 = vector.broadcast %broadcast_in_dim3A_458 : vector<1x512xi32> to vector<1024x512xi32>
      %eq3A_468 = arith.cmpi eq, %iota3A, %eq3A_467 : vector<1024x512xi32>
      %jit3A_469 = arith.constant -1.000000e+30 : f32
      %broadcast_in_dim3A_470 = vector.broadcast %jit3A_469 : f32 to vector<1024x512xf32>
      %select_n3A_471 = arith.select %eq3A_468, %broadcast_in_dim3A_470, %scan3A_450 : vector<1024x512xi1>, vector<1024x512xf32>
      scf.yield %select_n3A_471, %select_n3A_463, %select_n3A_466 : vector<1024x512xf32>, vector<32x512xf32>, vector<32x512xi32>
    }
    %scan3A_65 = arith.constant 32 : i32
    %iota3A_66 = tpu.iota {dimensions = array<i32: 0>} : vector<1024x512xi32>
    %iota3A_67 = tpu.iota {dimensions = array<i32: 0>} : vector<32x512xi32>
    %broadcast_in_dim3A_68 = arith.constant 0.000000e+00 : f32
    %broadcast_in_dim3A_69 = vector.broadcast %broadcast_in_dim3A_68 : f32 to vector<32x512xf32>
    %broadcast_in_dim3A_70 = arith.constant 0 : i32
    %broadcast_in_dim3A_71 = vector.broadcast %broadcast_in_dim3A_70 : i32 to vector<32x512xi32>
    %scan3A_72 = arith.constant 0 : i32
    %scan3A_73 = arith.constant 32 : i32
    %scan3A_74 = arith.addi %scan3A_72, %scan3A_73 : i32
    %scan3A_75 = arith.constant 1 : i32
    %scan3A_76:3 = scf.for %scan3A_449 = %scan3A_72 to %scan3A_74 step %scan3A_75 iter_args(%scan3A_450 = %concatenate3A_56, %scan3A_451 = %broadcast_in_dim3A_69, %scan3A_452 = %broadcast_in_dim3A_71) -> (vector<1024x512xf32>, vector<32x512xf32>, vector<32x512xi32>)  : i32 {
      %reduce_max3A = arith.constant dense<0xFF800000> : vector<512xf32>
      %reduce_max3A_453 = vector.multi_reduction <maximumf>, %scan3A_450, %reduce_max3A [0] : vector<1024x512xf32> to vector<512xf32>
      %broadcast_in_dim3A_454 = vector.shape_cast %reduce_max3A_453 : vector<512xf32> to vector<1x512xf32>
      %eq3A = vector.broadcast %broadcast_in_dim3A_454 : vector<1x512xf32> to vector<1024x512xf32>
      %eq3A_455 = arith.cmpf oeq, %scan3A_450, %eq3A : vector<1024x512xf32>
      %jit3A = arith.constant 1073741824 : i32
      %broadcast_in_dim3A_456 = vector.broadcast %jit3A : i32 to vector<1024x512xi32>
      %select_n3A = arith.select %eq3A_455, %iota3A_66, %broadcast_in_dim3A_456 : vector<1024x512xi1>, vector<1024x512xi32>
      %reduce_min3A = arith.constant dense<2147483647> : vector<512xi32>
      %reduce_min3A_457 = vector.multi_reduction <minsi>, %select_n3A, %reduce_min3A [0] : vector<1024x512xi32> to vector<512xi32>
      %broadcast_in_dim3A_458 = vector.shape_cast %reduce_min3A_457 : vector<512xi32> to vector<1x512xi32>
      %eq3A_459 = vector.broadcast %scan3A_449 : i32 to vector<32x512xi32>
      %eq3A_460 = arith.cmpi eq, %iota3A_67, %eq3A_459 : vector<32x512xi32>
      %broadcast_in_dim3A_461 = vector.shape_cast %broadcast_in_dim3A_454 : vector<1x512xf32> to vector<1x512xf32>
      %broadcast_in_dim3A_462 = vector.broadcast %broadcast_in_dim3A_461 : vector<1x512xf32> to vector<32x512xf32>
      %select_n3A_463 = arith.select %eq3A_460, %broadcast_in_dim3A_462, %scan3A_451 : vector<32x512xi1>, vector<32x512xf32>
      %broadcast_in_dim3A_464 = vector.shape_cast %broadcast_in_dim3A_458 : vector<1x512xi32> to vector<1x512xi32>
      %broadcast_in_dim3A_465 = vector.broadcast %broadcast_in_dim3A_464 : vector<1x512xi32> to vector<32x512xi32>
      %select_n3A_466 = arith.select %eq3A_460, %broadcast_in_dim3A_465, %scan3A_452 : vector<32x512xi1>, vector<32x512xi32>
      %eq3A_467 = vector.broadcast %broadcast_in_dim3A_458 : vector<1x512xi32> to vector<1024x512xi32>
      %eq3A_468 = arith.cmpi eq, %iota3A_66, %eq3A_467 : vector<1024x512xi32>
      %jit3A_469 = arith.constant -1.000000e+30 : f32
      %broadcast_in_dim3A_470 = vector.broadcast %jit3A_469 : f32 to vector<1024x512xf32>
      %select_n3A_471 = arith.select %eq3A_468, %broadcast_in_dim3A_470, %scan3A_450 : vector<1024x512xi1>, vector<1024x512xf32>
      scf.yield %select_n3A_471, %select_n3A_463, %select_n3A_466 : vector<1024x512xf32>, vector<32x512xf32>, vector<32x512xi32>
    }
    %scan3A_77 = arith.constant 32 : i32
    %slice3A_78 = vector.extract_strided_slice %scan3A_64#1 {offsets = [0, 0], sizes = [1, 512], strides = [1, 1]} : vector<32x512xf32> to vector<1x512xf32>
    %add3A_79 = vector.broadcast %slice3A_78 : vector<1x512xf32> to vector<32x512xf32>
    %add3A_80 = arith.addf %add3A_79, %scan3A_76#1 : vector<32x512xf32>
    %slice3A_81 = vector.extract_strided_slice %scan3A_64#2 {offsets = [0, 0], sizes = [1, 512], strides = [1, 1]} : vector<32x512xi32> to vector<1x512xi32>
    %mul3A = arith.constant 1024 : i32
    %mul3A_82 = vector.broadcast %mul3A : i32 to vector<1x512xi32>
    %mul3A_83 = arith.muli %slice3A_81, %mul3A_82 : vector<1x512xi32>
    %add3A_84 = vector.broadcast %mul3A_83 : vector<1x512xi32> to vector<32x512xi32>
    %add3A_85 = arith.addi %add3A_84, %scan3A_76#2 : vector<32x512xi32>
    %slice3A_86 = vector.extract_strided_slice %scan3A_64#1 {offsets = [1, 0], sizes = [1, 512], strides = [1, 1]} : vector<32x512xf32> to vector<1x512xf32>
    %slice3A_87 = vector.extract_strided_slice %scan3A_76#1 {offsets = [0, 0], sizes = [16, 512], strides = [1, 1]} : vector<32x512xf32> to vector<16x512xf32>
    %add3A_88 = vector.broadcast %slice3A_86 : vector<1x512xf32> to vector<16x512xf32>
    %add3A_89 = arith.addf %add3A_88, %slice3A_87 : vector<16x512xf32>
    %slice3A_90 = vector.extract_strided_slice %scan3A_64#2 {offsets = [1, 0], sizes = [1, 512], strides = [1, 1]} : vector<32x512xi32> to vector<1x512xi32>
    %mul3A_91 = arith.constant 1024 : i32
    %mul3A_92 = vector.broadcast %mul3A_91 : i32 to vector<1x512xi32>
    %mul3A_93 = arith.muli %slice3A_90, %mul3A_92 : vector<1x512xi32>
    %slice3A_94 = vector.extract_strided_slice %scan3A_76#2 {offsets = [0, 0], sizes = [16, 512], strides = [1, 1]} : vector<32x512xi32> to vector<16x512xi32>
    %add3A_95 = vector.broadcast %mul3A_93 : vector<1x512xi32> to vector<16x512xi32>
    %add3A_96 = arith.addi %add3A_95, %slice3A_94 : vector<16x512xi32>
    %slice3A_97 = vector.extract_strided_slice %scan3A_64#1 {offsets = [2, 0], sizes = [1, 512], strides = [1, 1]} : vector<32x512xf32> to vector<1x512xf32>
    %slice3A_98 = vector.extract_strided_slice %scan3A_76#1 {offsets = [0, 0], sizes = [10, 512], strides = [1, 1]} : vector<32x512xf32> to vector<10x512xf32>
    %add3A_99 = vector.broadcast %slice3A_97 : vector<1x512xf32> to vector<10x512xf32>
    %add3A_100 = arith.addf %add3A_99, %slice3A_98 : vector<10x512xf32>
    %slice3A_101 = vector.extract_strided_slice %scan3A_64#2 {offsets = [2, 0], sizes = [1, 512], strides = [1, 1]} : vector<32x512xi32> to vector<1x512xi32>
    %mul3A_102 = arith.constant 1024 : i32
    %mul3A_103 = vector.broadcast %mul3A_102 : i32 to vector<1x512xi32>
    %mul3A_104 = arith.muli %slice3A_101, %mul3A_103 : vector<1x512xi32>
    %slice3A_105 = vector.extract_strided_slice %scan3A_76#2 {offsets = [0, 0], sizes = [10, 512], strides = [1, 1]} : vector<32x512xi32> to vector<10x512xi32>
    %add3A_106 = vector.broadcast %mul3A_104 : vector<1x512xi32> to vector<10x512xi32>
    %add3A_107 = arith.addi %add3A_106, %slice3A_105 : vector<10x512xi32>
    %slice3A_108 = vector.extract_strided_slice %scan3A_64#1 {offsets = [3, 0], sizes = [1, 512], strides = [1, 1]} : vector<32x512xf32> to vector<1x512xf32>
    %slice3A_109 = vector.extract_strided_slice %scan3A_76#1 {offsets = [0, 0], sizes = [8, 512], strides = [1, 1]} : vector<32x512xf32> to vector<8x512xf32>
    %add3A_110 = vector.broadcast %slice3A_108 : vector<1x512xf32> to vector<8x512xf32>
    %add3A_111 = arith.addf %add3A_110, %slice3A_109 : vector<8x512xf32>
    %slice3A_112 = vector.extract_strided_slice %scan3A_64#2 {offsets = [3, 0], sizes = [1, 512], strides = [1, 1]} : vector<32x512xi32> to vector<1x512xi32>
    %mul3A_113 = arith.constant 1024 : i32
    %mul3A_114 = vector.broadcast %mul3A_113 : i32 to vector<1x512xi32>
    %mul3A_115 = arith.muli %slice3A_112, %mul3A_114 : vector<1x512xi32>
    %slice3A_116 = vector.extract_strided_slice %scan3A_76#2 {offsets = [0, 0], sizes = [8, 512], strides = [1, 1]} : vector<32x512xi32> to vector<8x512xi32>
    %add3A_117 = vector.broadcast %mul3A_115 : vector<1x512xi32> to vector<8x512xi32>
    %add3A_118 = arith.addi %add3A_117, %slice3A_116 : vector<8x512xi32>
    %slice3A_119 = vector.extract_strided_slice %scan3A_64#1 {offsets = [4, 0], sizes = [1, 512], strides = [1, 1]} : vector<32x512xf32> to vector<1x512xf32>
    %slice3A_120 = vector.extract_strided_slice %scan3A_76#1 {offsets = [0, 0], sizes = [6, 512], strides = [1, 1]} : vector<32x512xf32> to vector<6x512xf32>
    %add3A_121 = vector.broadcast %slice3A_119 : vector<1x512xf32> to vector<6x512xf32>
    %add3A_122 = arith.addf %add3A_121, %slice3A_120 : vector<6x512xf32>
    %slice3A_123 = vector.extract_strided_slice %scan3A_64#2 {offsets = [4, 0], sizes = [1, 512], strides = [1, 1]} : vector<32x512xi32> to vector<1x512xi32>
    %mul3A_124 = arith.constant 1024 : i32
    %mul3A_125 = vector.broadcast %mul3A_124 : i32 to vector<1x512xi32>
    %mul3A_126 = arith.muli %slice3A_123, %mul3A_125 : vector<1x512xi32>
    %slice3A_127 = vector.extract_strided_slice %scan3A_76#2 {offsets = [0, 0], sizes = [6, 512], strides = [1, 1]} : vector<32x512xi32> to vector<6x512xi32>
    %add3A_128 = vector.broadcast %mul3A_126 : vector<1x512xi32> to vector<6x512xi32>
    %add3A_129 = arith.addi %add3A_128, %slice3A_127 : vector<6x512xi32>
    %slice3A_130 = vector.extract_strided_slice %scan3A_64#1 {offsets = [5, 0], sizes = [1, 512], strides = [1, 1]} : vector<32x512xf32> to vector<1x512xf32>
    %slice3A_131 = vector.extract_strided_slice %scan3A_76#1 {offsets = [0, 0], sizes = [5, 512], strides = [1, 1]} : vector<32x512xf32> to vector<5x512xf32>
    %add3A_132 = vector.broadcast %slice3A_130 : vector<1x512xf32> to vector<5x512xf32>
    %add3A_133 = arith.addf %add3A_132, %slice3A_131 : vector<5x512xf32>
    %slice3A_134 = vector.extract_strided_slice %scan3A_64#2 {offsets = [5, 0], sizes = [1, 512], strides = [1, 1]} : vector<32x512xi32> to vector<1x512xi32>
    %mul3A_135 = arith.constant 1024 : i32
    %mul3A_136 = vector.broadcast %mul3A_135 : i32 to vector<1x512xi32>
    %mul3A_137 = arith.muli %slice3A_134, %mul3A_136 : vector<1x512xi32>
    %slice3A_138 = vector.extract_strided_slice %scan3A_76#2 {offsets = [0, 0], sizes = [5, 512], strides = [1, 1]} : vector<32x512xi32> to vector<5x512xi32>
    %add3A_139 = vector.broadcast %mul3A_137 : vector<1x512xi32> to vector<5x512xi32>
    %add3A_140 = arith.addi %add3A_139, %slice3A_138 : vector<5x512xi32>
    %slice3A_141 = vector.extract_strided_slice %scan3A_64#1 {offsets = [6, 0], sizes = [1, 512], strides = [1, 1]} : vector<32x512xf32> to vector<1x512xf32>
    %slice3A_142 = vector.extract_strided_slice %scan3A_76#1 {offsets = [0, 0], sizes = [4, 512], strides = [1, 1]} : vector<32x512xf32> to vector<4x512xf32>
    %add3A_143 = vector.broadcast %slice3A_141 : vector<1x512xf32> to vector<4x512xf32>
    %add3A_144 = arith.addf %add3A_143, %slice3A_142 : vector<4x512xf32>
    %slice3A_145 = vector.extract_strided_slice %scan3A_64#2 {offsets = [6, 0], sizes = [1, 512], strides = [1, 1]} : vector<32x512xi32> to vector<1x512xi32>
    %mul3A_146 = arith.constant 1024 : i32
    %mul3A_147 = vector.broadcast %mul3A_146 : i32 to vector<1x512xi32>
    %mul3A_148 = arith.muli %slice3A_145, %mul3A_147 : vector<1x512xi32>
    %slice3A_149 = vector.extract_strided_slice %scan3A_76#2 {offsets = [0, 0], sizes = [4, 512], strides = [1, 1]} : vector<32x512xi32> to vector<4x512xi32>
    %add3A_150 = vector.broadcast %mul3A_148 : vector<1x512xi32> to vector<4x512xi32>
    %add3A_151 = arith.addi %add3A_150, %slice3A_149 : vector<4x512xi32>
    %slice3A_152 = vector.extract_strided_slice %scan3A_64#1 {offsets = [7, 0], sizes = [1, 512], strides = [1, 1]} : vector<32x512xf32> to vector<1x512xf32>
    %slice3A_153 = vector.extract_strided_slice %scan3A_76#1 {offsets = [0, 0], sizes = [4, 512], strides = [1, 1]} : vector<32x512xf32> to vector<4x512xf32>
    %add3A_154 = vector.broadcast %slice3A_152 : vector<1x512xf32> to vector<4x512xf32>
    %add3A_155 = arith.addf %add3A_154, %slice3A_153 : vector<4x512xf32>
    %slice3A_156 = vector.extract_strided_slice %scan3A_64#2 {offsets = [7, 0], sizes = [1, 512], strides = [1, 1]} : vector<32x512xi32> to vector<1x512xi32>
    %mul3A_157 = arith.constant 1024 : i32
    %mul3A_158 = vector.broadcast %mul3A_157 : i32 to vector<1x512xi32>
    %mul3A_159 = arith.muli %slice3A_156, %mul3A_158 : vector<1x512xi32>
    %slice3A_160 = vector.extract_strided_slice %scan3A_76#2 {offsets = [0, 0], sizes = [4, 512], strides = [1, 1]} : vector<32x512xi32> to vector<4x512xi32>
    %add3A_161 = vector.broadcast %mul3A_159 : vector<1x512xi32> to vector<4x512xi32>
    %add3A_162 = arith.addi %add3A_161, %slice3A_160 : vector<4x512xi32>
    %slice3A_163 = vector.extract_strided_slice %scan3A_64#1 {offsets = [8, 0], sizes = [1, 512], strides = [1, 1]} : vector<32x512xf32> to vector<1x512xf32>
    %slice3A_164 = vector.extract_strided_slice %scan3A_76#1 {offsets = [0, 0], sizes = [3, 512], strides = [1, 1]} : vector<32x512xf32> to vector<3x512xf32>
    %add3A_165 = vector.broadcast %slice3A_163 : vector<1x512xf32> to vector<3x512xf32>
    %add3A_166 = arith.addf %add3A_165, %slice3A_164 : vector<3x512xf32>
    %slice3A_167 = vector.extract_strided_slice %scan3A_64#2 {offsets = [8, 0], sizes = [1, 512], strides = [1, 1]} : vector<32x512xi32> to vector<1x512xi32>
    %mul3A_168 = arith.constant 1024 : i32
    %mul3A_169 = vector.broadcast %mul3A_168 : i32 to vector<1x512xi32>
    %mul3A_170 = arith.muli %slice3A_167, %mul3A_169 : vector<1x512xi32>
    %slice3A_171 = vector.extract_strided_slice %scan3A_76#2 {offsets = [0, 0], sizes = [3, 512], strides = [1, 1]} : vector<32x512xi32> to vector<3x512xi32>
    %add3A_172 = vector.broadcast %mul3A_170 : vector<1x512xi32> to vector<3x512xi32>
    %add3A_173 = arith.addi %add3A_172, %slice3A_171 : vector<3x512xi32>
    %slice3A_174 = vector.extract_strided_slice %scan3A_64#1 {offsets = [9, 0], sizes = [1, 512], strides = [1, 1]} : vector<32x512xf32> to vector<1x512xf32>
    %slice3A_175 = vector.extract_strided_slice %scan3A_76#1 {offsets = [0, 0], sizes = [3, 512], strides = [1, 1]} : vector<32x512xf32> to vector<3x512xf32>
    %add3A_176 = vector.broadcast %slice3A_174 : vector<1x512xf32> to vector<3x512xf32>
    %add3A_177 = arith.addf %add3A_176, %slice3A_175 : vector<3x512xf32>
    %slice3A_178 = vector.extract_strided_slice %scan3A_64#2 {offsets = [9, 0], sizes = [1, 512], strides = [1, 1]} : vector<32x512xi32> to vector<1x512xi32>
    %mul3A_179 = arith.constant 1024 : i32
    %mul3A_180 = vector.broadcast %mul3A_179 : i32 to vector<1x512xi32>
    %mul3A_181 = arith.muli %slice3A_178, %mul3A_180 : vector<1x512xi32>
    %slice3A_182 = vector.extract_strided_slice %scan3A_76#2 {offsets = [0, 0], sizes = [3, 512], strides = [1, 1]} : vector<32x512xi32> to vector<3x512xi32>
    %add3A_183 = vector.broadcast %mul3A_181 : vector<1x512xi32> to vector<3x512xi32>
    %add3A_184 = arith.addi %add3A_183, %slice3A_182 : vector<3x512xi32>
    %slice3A_185 = vector.extract_strided_slice %scan3A_64#1 {offsets = [10, 0], sizes = [1, 512], strides = [1, 1]} : vector<32x512xf32> to vector<1x512xf32>
    %slice3A_186 = vector.extract_strided_slice %scan3A_76#1 {offsets = [0, 0], sizes = [2, 512], strides = [1, 1]} : vector<32x512xf32> to vector<2x512xf32>
    %add3A_187 = vector.broadcast %slice3A_185 : vector<1x512xf32> to vector<2x512xf32>
    %add3A_188 = arith.addf %add3A_187, %slice3A_186 : vector<2x512xf32>
    %slice3A_189 = vector.extract_strided_slice %scan3A_64#2 {offsets = [10, 0], sizes = [1, 512], strides = [1, 1]} : vector<32x512xi32> to vector<1x512xi32>
    %mul3A_190 = arith.constant 1024 : i32
    %mul3A_191 = vector.broadcast %mul3A_190 : i32 to vector<1x512xi32>
    %mul3A_192 = arith.muli %slice3A_189, %mul3A_191 : vector<1x512xi32>
    %slice3A_193 = vector.extract_strided_slice %scan3A_76#2 {offsets = [0, 0], sizes = [2, 512], strides = [1, 1]} : vector<32x512xi32> to vector<2x512xi32>
    %add3A_194 = vector.broadcast %mul3A_192 : vector<1x512xi32> to vector<2x512xi32>
    %add3A_195 = arith.addi %add3A_194, %slice3A_193 : vector<2x512xi32>
    %slice3A_196 = vector.extract_strided_slice %scan3A_64#1 {offsets = [11, 0], sizes = [1, 512], strides = [1, 1]} : vector<32x512xf32> to vector<1x512xf32>
    %slice3A_197 = vector.extract_strided_slice %scan3A_76#1 {offsets = [0, 0], sizes = [2, 512], strides = [1, 1]} : vector<32x512xf32> to vector<2x512xf32>
    %add3A_198 = vector.broadcast %slice3A_196 : vector<1x512xf32> to vector<2x512xf32>
    %add3A_199 = arith.addf %add3A_198, %slice3A_197 : vector<2x512xf32>
    %slice3A_200 = vector.extract_strided_slice %scan3A_64#2 {offsets = [11, 0], sizes = [1, 512], strides = [1, 1]} : vector<32x512xi32> to vector<1x512xi32>
    %mul3A_201 = arith.constant 1024 : i32
    %mul3A_202 = vector.broadcast %mul3A_201 : i32 to vector<1x512xi32>
    %mul3A_203 = arith.muli %slice3A_200, %mul3A_202 : vector<1x512xi32>
    %slice3A_204 = vector.extract_strided_slice %scan3A_76#2 {offsets = [0, 0], sizes = [2, 512], strides = [1, 1]} : vector<32x512xi32> to vector<2x512xi32>
    %add3A_205 = vector.broadcast %mul3A_203 : vector<1x512xi32> to vector<2x512xi32>
    %add3A_206 = arith.addi %add3A_205, %slice3A_204 : vector<2x512xi32>
    %slice3A_207 = vector.extract_strided_slice %scan3A_64#1 {offsets = [12, 0], sizes = [1, 512], strides = [1, 1]} : vector<32x512xf32> to vector<1x512xf32>
    %slice3A_208 = vector.extract_strided_slice %scan3A_76#1 {offsets = [0, 0], sizes = [2, 512], strides = [1, 1]} : vector<32x512xf32> to vector<2x512xf32>
    %add3A_209 = vector.broadcast %slice3A_207 : vector<1x512xf32> to vector<2x512xf32>
    %add3A_210 = arith.addf %add3A_209, %slice3A_208 : vector<2x512xf32>
    %slice3A_211 = vector.extract_strided_slice %scan3A_64#2 {offsets = [12, 0], sizes = [1, 512], strides = [1, 1]} : vector<32x512xi32> to vector<1x512xi32>
    %mul3A_212 = arith.constant 1024 : i32
    %mul3A_213 = vector.broadcast %mul3A_212 : i32 to vector<1x512xi32>
    %mul3A_214 = arith.muli %slice3A_211, %mul3A_213 : vector<1x512xi32>
    %slice3A_215 = vector.extract_strided_slice %scan3A_76#2 {offsets = [0, 0], sizes = [2, 512], strides = [1, 1]} : vector<32x512xi32> to vector<2x512xi32>
    %add3A_216 = vector.broadcast %mul3A_214 : vector<1x512xi32> to vector<2x512xi32>
    %add3A_217 = arith.addi %add3A_216, %slice3A_215 : vector<2x512xi32>
    %slice3A_218 = vector.extract_strided_slice %scan3A_64#1 {offsets = [13, 0], sizes = [1, 512], strides = [1, 1]} : vector<32x512xf32> to vector<1x512xf32>
    %slice3A_219 = vector.extract_strided_slice %scan3A_76#1 {offsets = [0, 0], sizes = [2, 512], strides = [1, 1]} : vector<32x512xf32> to vector<2x512xf32>
    %add3A_220 = vector.broadcast %slice3A_218 : vector<1x512xf32> to vector<2x512xf32>
    %add3A_221 = arith.addf %add3A_220, %slice3A_219 : vector<2x512xf32>
    %slice3A_222 = vector.extract_strided_slice %scan3A_64#2 {offsets = [13, 0], sizes = [1, 512], strides = [1, 1]} : vector<32x512xi32> to vector<1x512xi32>
    %mul3A_223 = arith.constant 1024 : i32
    %mul3A_224 = vector.broadcast %mul3A_223 : i32 to vector<1x512xi32>
    %mul3A_225 = arith.muli %slice3A_222, %mul3A_224 : vector<1x512xi32>
    %slice3A_226 = vector.extract_strided_slice %scan3A_76#2 {offsets = [0, 0], sizes = [2, 512], strides = [1, 1]} : vector<32x512xi32> to vector<2x512xi32>
    %add3A_227 = vector.broadcast %mul3A_225 : vector<1x512xi32> to vector<2x512xi32>
    %add3A_228 = arith.addi %add3A_227, %slice3A_226 : vector<2x512xi32>
    %slice3A_229 = vector.extract_strided_slice %scan3A_64#1 {offsets = [14, 0], sizes = [1, 512], strides = [1, 1]} : vector<32x512xf32> to vector<1x512xf32>
    %slice3A_230 = vector.extract_strided_slice %scan3A_76#1 {offsets = [0, 0], sizes = [2, 512], strides = [1, 1]} : vector<32x512xf32> to vector<2x512xf32>
    %add3A_231 = vector.broadcast %slice3A_229 : vector<1x512xf32> to vector<2x512xf32>
    %add3A_232 = arith.addf %add3A_231, %slice3A_230 : vector<2x512xf32>
    %slice3A_233 = vector.extract_strided_slice %scan3A_64#2 {offsets = [14, 0], sizes = [1, 512], strides = [1, 1]} : vector<32x512xi32> to vector<1x512xi32>
    %mul3A_234 = arith.constant 1024 : i32
    %mul3A_235 = vector.broadcast %mul3A_234 : i32 to vector<1x512xi32>
    %mul3A_236 = arith.muli %slice3A_233, %mul3A_235 : vector<1x512xi32>
    %slice3A_237 = vector.extract_strided_slice %scan3A_76#2 {offsets = [0, 0], sizes = [2, 512], strides = [1, 1]} : vector<32x512xi32> to vector<2x512xi32>
    %add3A_238 = vector.broadcast %mul3A_236 : vector<1x512xi32> to vector<2x512xi32>
    %add3A_239 = arith.addi %add3A_238, %slice3A_237 : vector<2x512xi32>
    %slice3A_240 = vector.extract_strided_slice %scan3A_64#1 {offsets = [15, 0], sizes = [1, 512], strides = [1, 1]} : vector<32x512xf32> to vector<1x512xf32>
    %slice3A_241 = vector.extract_strided_slice %scan3A_76#1 {offsets = [0, 0], sizes = [2, 512], strides = [1, 1]} : vector<32x512xf32> to vector<2x512xf32>
    %add3A_242 = vector.broadcast %slice3A_240 : vector<1x512xf32> to vector<2x512xf32>
    %add3A_243 = arith.addf %add3A_242, %slice3A_241 : vector<2x512xf32>
    %slice3A_244 = vector.extract_strided_slice %scan3A_64#2 {offsets = [15, 0], sizes = [1, 512], strides = [1, 1]} : vector<32x512xi32> to vector<1x512xi32>
    %mul3A_245 = arith.constant 1024 : i32
    %mul3A_246 = vector.broadcast %mul3A_245 : i32 to vector<1x512xi32>
    %mul3A_247 = arith.muli %slice3A_244, %mul3A_246 : vector<1x512xi32>
    %slice3A_248 = vector.extract_strided_slice %scan3A_76#2 {offsets = [0, 0], sizes = [2, 512], strides = [1, 1]} : vector<32x512xi32> to vector<2x512xi32>
    %add3A_249 = vector.broadcast %mul3A_247 : vector<1x512xi32> to vector<2x512xi32>
    %add3A_250 = arith.addi %add3A_249, %slice3A_248 : vector<2x512xi32>
    %slice3A_251 = vector.extract_strided_slice %scan3A_64#1 {offsets = [16, 0], sizes = [1, 512], strides = [1, 1]} : vector<32x512xf32> to vector<1x512xf32>
    %slice3A_252 = vector.extract_strided_slice %scan3A_76#1 {offsets = [0, 0], sizes = [1, 512], strides = [1, 1]} : vector<32x512xf32> to vector<1x512xf32>
    %add3A_253 = arith.addf %slice3A_251, %slice3A_252 : vector<1x512xf32>
    %slice3A_254 = vector.extract_strided_slice %scan3A_64#2 {offsets = [16, 0], sizes = [1, 512], strides = [1, 1]} : vector<32x512xi32> to vector<1x512xi32>
    %mul3A_255 = arith.constant 1024 : i32
    %mul3A_256 = vector.broadcast %mul3A_255 : i32 to vector<1x512xi32>
    %mul3A_257 = arith.muli %slice3A_254, %mul3A_256 : vector<1x512xi32>
    %slice3A_258 = vector.extract_strided_slice %scan3A_76#2 {offsets = [0, 0], sizes = [1, 512], strides = [1, 1]} : vector<32x512xi32> to vector<1x512xi32>
    %add3A_259 = arith.addi %mul3A_257, %slice3A_258 : vector<1x512xi32>
    %slice3A_260 = vector.extract_strided_slice %scan3A_64#1 {offsets = [17, 0], sizes = [1, 512], strides = [1, 1]} : vector<32x512xf32> to vector<1x512xf32>
    %slice3A_261 = vector.extract_strided_slice %scan3A_76#1 {offsets = [0, 0], sizes = [1, 512], strides = [1, 1]} : vector<32x512xf32> to vector<1x512xf32>
    %add3A_262 = arith.addf %slice3A_260, %slice3A_261 : vector<1x512xf32>
    %slice3A_263 = vector.extract_strided_slice %scan3A_64#2 {offsets = [17, 0], sizes = [1, 512], strides = [1, 1]} : vector<32x512xi32> to vector<1x512xi32>
    %mul3A_264 = arith.constant 1024 : i32
    %mul3A_265 = vector.broadcast %mul3A_264 : i32 to vector<1x512xi32>
    %mul3A_266 = arith.muli %slice3A_263, %mul3A_265 : vector<1x512xi32>
    %slice3A_267 = vector.extract_strided_slice %scan3A_76#2 {offsets = [0, 0], sizes = [1, 512], strides = [1, 1]} : vector<32x512xi32> to vector<1x512xi32>
    %add3A_268 = arith.addi %mul3A_266, %slice3A_267 : vector<1x512xi32>
    %slice3A_269 = vector.extract_strided_slice %scan3A_64#1 {offsets = [18, 0], sizes = [1, 512], strides = [1, 1]} : vector<32x512xf32> to vector<1x512xf32>
    %slice3A_270 = vector.extract_strided_slice %scan3A_76#1 {offsets = [0, 0], sizes = [1, 512], strides = [1, 1]} : vector<32x512xf32> to vector<1x512xf32>
    %add3A_271 = arith.addf %slice3A_269, %slice3A_270 : vector<1x512xf32>
    %slice3A_272 = vector.extract_strided_slice %scan3A_64#2 {offsets = [18, 0], sizes = [1, 512], strides = [1, 1]} : vector<32x512xi32> to vector<1x512xi32>
    %mul3A_273 = arith.constant 1024 : i32
    %mul3A_274 = vector.broadcast %mul3A_273 : i32 to vector<1x512xi32>
    %mul3A_275 = arith.muli %slice3A_272, %mul3A_274 : vector<1x512xi32>
    %slice3A_276 = vector.extract_strided_slice %scan3A_76#2 {offsets = [0, 0], sizes = [1, 512], strides = [1, 1]} : vector<32x512xi32> to vector<1x512xi32>
    %add3A_277 = arith.addi %mul3A_275, %slice3A_276 : vector<1x512xi32>
    %slice3A_278 = vector.extract_strided_slice %scan3A_64#1 {offsets = [19, 0], sizes = [1, 512], strides = [1, 1]} : vector<32x512xf32> to vector<1x512xf32>
    %slice3A_279 = vector.extract_strided_slice %scan3A_76#1 {offsets = [0, 0], sizes = [1, 512], strides = [1, 1]} : vector<32x512xf32> to vector<1x512xf32>
    %add3A_280 = arith.addf %slice3A_278, %slice3A_279 : vector<1x512xf32>
    %slice3A_281 = vector.extract_strided_slice %scan3A_64#2 {offsets = [19, 0], sizes = [1, 512], strides = [1, 1]} : vector<32x512xi32> to vector<1x512xi32>
    %mul3A_282 = arith.constant 1024 : i32
    %mul3A_283 = vector.broadcast %mul3A_282 : i32 to vector<1x512xi32>
    %mul3A_284 = arith.muli %slice3A_281, %mul3A_283 : vector<1x512xi32>
    %slice3A_285 = vector.extract_strided_slice %scan3A_76#2 {offsets = [0, 0], sizes = [1, 512], strides = [1, 1]} : vector<32x512xi32> to vector<1x512xi32>
    %add3A_286 = arith.addi %mul3A_284, %slice3A_285 : vector<1x512xi32>
    %slice3A_287 = vector.extract_strided_slice %scan3A_64#1 {offsets = [20, 0], sizes = [1, 512], strides = [1, 1]} : vector<32x512xf32> to vector<1x512xf32>
    %slice3A_288 = vector.extract_strided_slice %scan3A_76#1 {offsets = [0, 0], sizes = [1, 512], strides = [1, 1]} : vector<32x512xf32> to vector<1x512xf32>
    %add3A_289 = arith.addf %slice3A_287, %slice3A_288 : vector<1x512xf32>
    %slice3A_290 = vector.extract_strided_slice %scan3A_64#2 {offsets = [20, 0], sizes = [1, 512], strides = [1, 1]} : vector<32x512xi32> to vector<1x512xi32>
    %mul3A_291 = arith.constant 1024 : i32
    %mul3A_292 = vector.broadcast %mul3A_291 : i32 to vector<1x512xi32>
    %mul3A_293 = arith.muli %slice3A_290, %mul3A_292 : vector<1x512xi32>
    %slice3A_294 = vector.extract_strided_slice %scan3A_76#2 {offsets = [0, 0], sizes = [1, 512], strides = [1, 1]} : vector<32x512xi32> to vector<1x512xi32>
    %add3A_295 = arith.addi %mul3A_293, %slice3A_294 : vector<1x512xi32>
    %slice3A_296 = vector.extract_strided_slice %scan3A_64#1 {offsets = [21, 0], sizes = [1, 512], strides = [1, 1]} : vector<32x512xf32> to vector<1x512xf32>
    %slice3A_297 = vector.extract_strided_slice %scan3A_76#1 {offsets = [0, 0], sizes = [1, 512], strides = [1, 1]} : vector<32x512xf32> to vector<1x512xf32>
    %add3A_298 = arith.addf %slice3A_296, %slice3A_297 : vector<1x512xf32>
    %slice3A_299 = vector.extract_strided_slice %scan3A_64#2 {offsets = [21, 0], sizes = [1, 512], strides = [1, 1]} : vector<32x512xi32> to vector<1x512xi32>
    %mul3A_300 = arith.constant 1024 : i32
    %mul3A_301 = vector.broadcast %mul3A_300 : i32 to vector<1x512xi32>
    %mul3A_302 = arith.muli %slice3A_299, %mul3A_301 : vector<1x512xi32>
    %slice3A_303 = vector.extract_strided_slice %scan3A_76#2 {offsets = [0, 0], sizes = [1, 512], strides = [1, 1]} : vector<32x512xi32> to vector<1x512xi32>
    %add3A_304 = arith.addi %mul3A_302, %slice3A_303 : vector<1x512xi32>
    %slice3A_305 = vector.extract_strided_slice %scan3A_64#1 {offsets = [22, 0], sizes = [1, 512], strides = [1, 1]} : vector<32x512xf32> to vector<1x512xf32>
    %slice3A_306 = vector.extract_strided_slice %scan3A_76#1 {offsets = [0, 0], sizes = [1, 512], strides = [1, 1]} : vector<32x512xf32> to vector<1x512xf32>
    %add3A_307 = arith.addf %slice3A_305, %slice3A_306 : vector<1x512xf32>
    %slice3A_308 = vector.extract_strided_slice %scan3A_64#2 {offsets = [22, 0], sizes = [1, 512], strides = [1, 1]} : vector<32x512xi32> to vector<1x512xi32>
    %mul3A_309 = arith.constant 1024 : i32
    %mul3A_310 = vector.broadcast %mul3A_309 : i32 to vector<1x512xi32>
    %mul3A_311 = arith.muli %slice3A_308, %mul3A_310 : vector<1x512xi32>
    %slice3A_312 = vector.extract_strided_slice %scan3A_76#2 {offsets = [0, 0], sizes = [1, 512], strides = [1, 1]} : vector<32x512xi32> to vector<1x512xi32>
    %add3A_313 = arith.addi %mul3A_311, %slice3A_312 : vector<1x512xi32>
    %slice3A_314 = vector.extract_strided_slice %scan3A_64#1 {offsets = [23, 0], sizes = [1, 512], strides = [1, 1]} : vector<32x512xf32> to vector<1x512xf32>
    %slice3A_315 = vector.extract_strided_slice %scan3A_76#1 {offsets = [0, 0], sizes = [1, 512], strides = [1, 1]} : vector<32x512xf32> to vector<1x512xf32>
    %add3A_316 = arith.addf %slice3A_314, %slice3A_315 : vector<1x512xf32>
    %slice3A_317 = vector.extract_strided_slice %scan3A_64#2 {offsets = [23, 0], sizes = [1, 512], strides = [1, 1]} : vector<32x512xi32> to vector<1x512xi32>
    %mul3A_318 = arith.constant 1024 : i32
    %mul3A_319 = vector.broadcast %mul3A_318 : i32 to vector<1x512xi32>
    %mul3A_320 = arith.muli %slice3A_317, %mul3A_319 : vector<1x512xi32>
    %slice3A_321 = vector.extract_strided_slice %scan3A_76#2 {offsets = [0, 0], sizes = [1, 512], strides = [1, 1]} : vector<32x512xi32> to vector<1x512xi32>
    %add3A_322 = arith.addi %mul3A_320, %slice3A_321 : vector<1x512xi32>
    %slice3A_323 = vector.extract_strided_slice %scan3A_64#1 {offsets = [24, 0], sizes = [1, 512], strides = [1, 1]} : vector<32x512xf32> to vector<1x512xf32>
    %slice3A_324 = vector.extract_strided_slice %scan3A_76#1 {offsets = [0, 0], sizes = [1, 512], strides = [1, 1]} : vector<32x512xf32> to vector<1x512xf32>
    %add3A_325 = arith.addf %slice3A_323, %slice3A_324 : vector<1x512xf32>
    %slice3A_326 = vector.extract_strided_slice %scan3A_64#2 {offsets = [24, 0], sizes = [1, 512], strides = [1, 1]} : vector<32x512xi32> to vector<1x512xi32>
    %mul3A_327 = arith.constant 1024 : i32
    %mul3A_328 = vector.broadcast %mul3A_327 : i32 to vector<1x512xi32>
    %mul3A_329 = arith.muli %slice3A_326, %mul3A_328 : vector<1x512xi32>
    %slice3A_330 = vector.extract_strided_slice %scan3A_76#2 {offsets = [0, 0], sizes = [1, 512], strides = [1, 1]} : vector<32x512xi32> to vector<1x512xi32>
    %add3A_331 = arith.addi %mul3A_329, %slice3A_330 : vector<1x512xi32>
    %slice3A_332 = vector.extract_strided_slice %scan3A_64#1 {offsets = [25, 0], sizes = [1, 512], strides = [1, 1]} : vector<32x512xf32> to vector<1x512xf32>
    %slice3A_333 = vector.extract_strided_slice %scan3A_76#1 {offsets = [0, 0], sizes = [1, 512], strides = [1, 1]} : vector<32x512xf32> to vector<1x512xf32>
    %add3A_334 = arith.addf %slice3A_332, %slice3A_333 : vector<1x512xf32>
    %slice3A_335 = vector.extract_strided_slice %scan3A_64#2 {offsets = [25, 0], sizes = [1, 512], strides = [1, 1]} : vector<32x512xi32> to vector<1x512xi32>
    %mul3A_336 = arith.constant 1024 : i32
    %mul3A_337 = vector.broadcast %mul3A_336 : i32 to vector<1x512xi32>
    %mul3A_338 = arith.muli %slice3A_335, %mul3A_337 : vector<1x512xi32>
    %slice3A_339 = vector.extract_strided_slice %scan3A_76#2 {offsets = [0, 0], sizes = [1, 512], strides = [1, 1]} : vector<32x512xi32> to vector<1x512xi32>
    %add3A_340 = arith.addi %mul3A_338, %slice3A_339 : vector<1x512xi32>
    %slice3A_341 = vector.extract_strided_slice %scan3A_64#1 {offsets = [26, 0], sizes = [1, 512], strides = [1, 1]} : vector<32x512xf32> to vector<1x512xf32>
    %slice3A_342 = vector.extract_strided_slice %scan3A_76#1 {offsets = [0, 0], sizes = [1, 512], strides = [1, 1]} : vector<32x512xf32> to vector<1x512xf32>
    %add3A_343 = arith.addf %slice3A_341, %slice3A_342 : vector<1x512xf32>
    %slice3A_344 = vector.extract_strided_slice %scan3A_64#2 {offsets = [26, 0], sizes = [1, 512], strides = [1, 1]} : vector<32x512xi32> to vector<1x512xi32>
    %mul3A_345 = arith.constant 1024 : i32
    %mul3A_346 = vector.broadcast %mul3A_345 : i32 to vector<1x512xi32>
    %mul3A_347 = arith.muli %slice3A_344, %mul3A_346 : vector<1x512xi32>
    %slice3A_348 = vector.extract_strided_slice %scan3A_76#2 {offsets = [0, 0], sizes = [1, 512], strides = [1, 1]} : vector<32x512xi32> to vector<1x512xi32>
    %add3A_349 = arith.addi %mul3A_347, %slice3A_348 : vector<1x512xi32>
    %slice3A_350 = vector.extract_strided_slice %scan3A_64#1 {offsets = [27, 0], sizes = [1, 512], strides = [1, 1]} : vector<32x512xf32> to vector<1x512xf32>
    %slice3A_351 = vector.extract_strided_slice %scan3A_76#1 {offsets = [0, 0], sizes = [1, 512], strides = [1, 1]} : vector<32x512xf32> to vector<1x512xf32>
    %add3A_352 = arith.addf %slice3A_350, %slice3A_351 : vector<1x512xf32>
    %slice3A_353 = vector.extract_strided_slice %scan3A_64#2 {offsets = [27, 0], sizes = [1, 512], strides = [1, 1]} : vector<32x512xi32> to vector<1x512xi32>
    %mul3A_354 = arith.constant 1024 : i32
    %mul3A_355 = vector.broadcast %mul3A_354 : i32 to vector<1x512xi32>
    %mul3A_356 = arith.muli %slice3A_353, %mul3A_355 : vector<1x512xi32>
    %slice3A_357 = vector.extract_strided_slice %scan3A_76#2 {offsets = [0, 0], sizes = [1, 512], strides = [1, 1]} : vector<32x512xi32> to vector<1x512xi32>
    %add3A_358 = arith.addi %mul3A_356, %slice3A_357 : vector<1x512xi32>
    %slice3A_359 = vector.extract_strided_slice %scan3A_64#1 {offsets = [28, 0], sizes = [1, 512], strides = [1, 1]} : vector<32x512xf32> to vector<1x512xf32>
    %slice3A_360 = vector.extract_strided_slice %scan3A_76#1 {offsets = [0, 0], sizes = [1, 512], strides = [1, 1]} : vector<32x512xf32> to vector<1x512xf32>
    %add3A_361 = arith.addf %slice3A_359, %slice3A_360 : vector<1x512xf32>
    %slice3A_362 = vector.extract_strided_slice %scan3A_64#2 {offsets = [28, 0], sizes = [1, 512], strides = [1, 1]} : vector<32x512xi32> to vector<1x512xi32>
    %mul3A_363 = arith.constant 1024 : i32
    %mul3A_364 = vector.broadcast %mul3A_363 : i32 to vector<1x512xi32>
    %mul3A_365 = arith.muli %slice3A_362, %mul3A_364 : vector<1x512xi32>
    %slice3A_366 = vector.extract_strided_slice %scan3A_76#2 {offsets = [0, 0], sizes = [1, 512], strides = [1, 1]} : vector<32x512xi32> to vector<1x512xi32>
    %add3A_367 = arith.addi %mul3A_365, %slice3A_366 : vector<1x512xi32>
    %slice3A_368 = vector.extract_strided_slice %scan3A_64#1 {offsets = [29, 0], sizes = [1, 512], strides = [1, 1]} : vector<32x512xf32> to vector<1x512xf32>
    %slice3A_369 = vector.extract_strided_slice %scan3A_76#1 {offsets = [0, 0], sizes = [1, 512], strides = [1, 1]} : vector<32x512xf32> to vector<1x512xf32>
    %add3A_370 = arith.addf %slice3A_368, %slice3A_369 : vector<1x512xf32>
    %slice3A_371 = vector.extract_strided_slice %scan3A_64#2 {offsets = [29, 0], sizes = [1, 512], strides = [1, 1]} : vector<32x512xi32> to vector<1x512xi32>
    %mul3A_372 = arith.constant 1024 : i32
    %mul3A_373 = vector.broadcast %mul3A_372 : i32 to vector<1x512xi32>
    %mul3A_374 = arith.muli %slice3A_371, %mul3A_373 : vector<1x512xi32>
    %slice3A_375 = vector.extract_strided_slice %scan3A_76#2 {offsets = [0, 0], sizes = [1, 512], strides = [1, 1]} : vector<32x512xi32> to vector<1x512xi32>
    %add3A_376 = arith.addi %mul3A_374, %slice3A_375 : vector<1x512xi32>
    %slice3A_377 = vector.extract_strided_slice %scan3A_64#1 {offsets = [30, 0], sizes = [1, 512], strides = [1, 1]} : vector<32x512xf32> to vector<1x512xf32>
    %slice3A_378 = vector.extract_strided_slice %scan3A_76#1 {offsets = [0, 0], sizes = [1, 512], strides = [1, 1]} : vector<32x512xf32> to vector<1x512xf32>
    %add3A_379 = arith.addf %slice3A_377, %slice3A_378 : vector<1x512xf32>
    %slice3A_380 = vector.extract_strided_slice %scan3A_64#2 {offsets = [30, 0], sizes = [1, 512], strides = [1, 1]} : vector<32x512xi32> to vector<1x512xi32>
    %mul3A_381 = arith.constant 1024 : i32
    %mul3A_382 = vector.broadcast %mul3A_381 : i32 to vector<1x512xi32>
    %mul3A_383 = arith.muli %slice3A_380, %mul3A_382 : vector<1x512xi32>
    %slice3A_384 = vector.extract_strided_slice %scan3A_76#2 {offsets = [0, 0], sizes = [1, 512], strides = [1, 1]} : vector<32x512xi32> to vector<1x512xi32>
    %add3A_385 = arith.addi %mul3A_383, %slice3A_384 : vector<1x512xi32>
    %slice3A_386 = vector.extract_strided_slice %scan3A_64#1 {offsets = [31, 0], sizes = [1, 512], strides = [1, 1]} : vector<32x512xf32> to vector<1x512xf32>
    %slice3A_387 = vector.extract_strided_slice %scan3A_76#1 {offsets = [0, 0], sizes = [1, 512], strides = [1, 1]} : vector<32x512xf32> to vector<1x512xf32>
    %add3A_388 = arith.addf %slice3A_386, %slice3A_387 : vector<1x512xf32>
    %slice3A_389 = vector.extract_strided_slice %scan3A_64#2 {offsets = [31, 0], sizes = [1, 512], strides = [1, 1]} : vector<32x512xi32> to vector<1x512xi32>
    %mul3A_390 = arith.constant 1024 : i32
    %mul3A_391 = vector.broadcast %mul3A_390 : i32 to vector<1x512xi32>
    %mul3A_392 = arith.muli %slice3A_389, %mul3A_391 : vector<1x512xi32>
    %slice3A_393 = vector.extract_strided_slice %scan3A_76#2 {offsets = [0, 0], sizes = [1, 512], strides = [1, 1]} : vector<32x512xi32> to vector<1x512xi32>
    %add3A_394 = arith.addi %mul3A_392, %slice3A_393 : vector<1x512xi32>
    %broadcast_in_dim3A_395 = arith.constant -1.000000e+30 : f32
    %broadcast_in_dim3A_396 = vector.broadcast %broadcast_in_dim3A_395 : f32 to vector<9x512xf32>
    %broadcast_in_dim3A_397 = arith.constant 0 : i32
    %broadcast_in_dim3A_398 = vector.broadcast %broadcast_in_dim3A_397 : i32 to vector<9x512xi32>
    %concatenate3A_399 = tpu.concatenate %add3A_80, %add3A_89, %add3A_100, %add3A_111, %add3A_122, %add3A_133, %add3A_144, %add3A_155, %add3A_166, %add3A_177, %add3A_188, %add3A_199, %add3A_210, %add3A_221, %add3A_232, %add3A_243, %add3A_253, %add3A_262, %add3A_271, %add3A_280, %add3A_289, %add3A_298, %add3A_307, %add3A_316, %add3A_325, %add3A_334, %add3A_343, %add3A_352, %add3A_361, %add3A_370, %add3A_379, %add3A_388, %broadcast_in_dim3A_396 in 0 : vector<32x512xf32>, vector<16x512xf32>, vector<10x512xf32>, vector<8x512xf32>, vector<6x512xf32>, vector<5x512xf32>, vector<4x512xf32>, vector<4x512xf32>, vector<3x512xf32>, vector<3x512xf32>, vector<2x512xf32>, vector<2x512xf32>, vector<2x512xf32>, vector<2x512xf32>, vector<2x512xf32>, vector<2x512xf32>, vector<1x512xf32>, vector<1x512xf32>, vector<1x512xf32>, vector<1x512xf32>, vector<1x512xf32>, vector<1x512xf32>, vector<1x512xf32>, vector<1x512xf32>, vector<1x512xf32>, vector<1x512xf32>, vector<1x512xf32>, vector<1x512xf32>, vector<1x512xf32>, vector<1x512xf32>, vector<1x512xf32>, vector<1x512xf32>, vector<9x512xf32> -> vector<128x512xf32>
    %concatenate3A_400 = tpu.concatenate %add3A_85, %add3A_96, %add3A_107, %add3A_118, %add3A_129, %add3A_140, %add3A_151, %add3A_162, %add3A_173, %add3A_184, %add3A_195, %add3A_206, %add3A_217, %add3A_228, %add3A_239, %add3A_250, %add3A_259, %add3A_268, %add3A_277, %add3A_286, %add3A_295, %add3A_304, %add3A_313, %add3A_322, %add3A_331, %add3A_340, %add3A_349, %add3A_358, %add3A_367, %add3A_376, %add3A_385, %add3A_394, %broadcast_in_dim3A_398 in 0 : vector<32x512xi32>, vector<16x512xi32>, vector<10x512xi32>, vector<8x512xi32>, vector<6x512xi32>, vector<5x512xi32>, vector<4x512xi32>, vector<4x512xi32>, vector<3x512xi32>, vector<3x512xi32>, vector<2x512xi32>, vector<2x512xi32>, vector<2x512xi32>, vector<2x512xi32>, vector<2x512xi32>, vector<2x512xi32>, vector<1x512xi32>, vector<1x512xi32>, vector<1x512xi32>, vector<1x512xi32>, vector<1x512xi32>, vector<1x512xi32>, vector<1x512xi32>, vector<1x512xi32>, vector<1x512xi32>, vector<1x512xi32>, vector<1x512xi32>, vector<1x512xi32>, vector<1x512xi32>, vector<1x512xi32>, vector<1x512xi32>, vector<1x512xi32>, vector<9x512xi32> -> vector<128x512xi32>
    %iota3A_401 = tpu.iota {dimensions = array<i32: 0>} : vector<128x512xi32>
    %iota3A_402 = tpu.iota {dimensions = array<i32: 0>} : vector<32x512xi32>
    %broadcast_in_dim3A_403 = arith.constant 0.000000e+00 : f32
    %broadcast_in_dim3A_404 = vector.broadcast %broadcast_in_dim3A_403 : f32 to vector<32x512xf32>
    %broadcast_in_dim3A_405 = arith.constant 0 : i32
    %broadcast_in_dim3A_406 = vector.broadcast %broadcast_in_dim3A_405 : i32 to vector<32x512xi32>
    %scan3A_407 = arith.constant 0 : i32
    %scan3A_408 = arith.constant 32 : i32
    %scan3A_409 = arith.addi %scan3A_407, %scan3A_408 : i32
    %scan3A_410 = arith.constant 1 : i32
    %scan3A_411:3 = scf.for %scan3A_449 = %scan3A_407 to %scan3A_409 step %scan3A_410 iter_args(%scan3A_450 = %concatenate3A_399, %scan3A_451 = %broadcast_in_dim3A_404, %scan3A_452 = %broadcast_in_dim3A_406) -> (vector<128x512xf32>, vector<32x512xf32>, vector<32x512xi32>)  : i32 {
      %reduce_max3A = arith.constant dense<0xFF800000> : vector<512xf32>
      %reduce_max3A_453 = vector.multi_reduction <maximumf>, %scan3A_450, %reduce_max3A [0] : vector<128x512xf32> to vector<512xf32>
      %broadcast_in_dim3A_454 = vector.shape_cast %reduce_max3A_453 : vector<512xf32> to vector<1x512xf32>
      %eq3A = vector.broadcast %broadcast_in_dim3A_454 : vector<1x512xf32> to vector<128x512xf32>
      %eq3A_455 = arith.cmpf oeq, %scan3A_450, %eq3A : vector<128x512xf32>
      %jit3A = arith.constant 1073741824 : i32
      %broadcast_in_dim3A_456 = vector.broadcast %jit3A : i32 to vector<128x512xi32>
      %select_n3A = arith.select %eq3A_455, %iota3A_401, %broadcast_in_dim3A_456 : vector<128x512xi1>, vector<128x512xi32>
      %reduce_min3A = arith.constant dense<2147483647> : vector<512xi32>
      %reduce_min3A_457 = vector.multi_reduction <minsi>, %select_n3A, %reduce_min3A [0] : vector<128x512xi32> to vector<512xi32>
      %broadcast_in_dim3A_458 = vector.shape_cast %reduce_min3A_457 : vector<512xi32> to vector<1x512xi32>
      %eq3A_459 = vector.broadcast %broadcast_in_dim3A_458 : vector<1x512xi32> to vector<128x512xi32>
      %eq3A_460 = arith.cmpi eq, %iota3A_401, %eq3A_459 : vector<128x512xi32>
      %jit3A_461 = arith.constant 0 : i32
      %broadcast_in_dim3A_462 = vector.broadcast %jit3A_461 : i32 to vector<128x512xi32>
      %select_n3A_463 = arith.select %eq3A_460, %concatenate3A_400, %broadcast_in_dim3A_462 : vector<128x512xi1>, vector<128x512xi32>
      %reduce_sum3A_464 = arith.constant dense<0> : vector<512xi32>
      %reduce_sum3A_465 = vector.multi_reduction <add>, %select_n3A_463, %reduce_sum3A_464 [0] : vector<128x512xi32> to vector<512xi32>
      %broadcast_in_dim3A_466 = vector.shape_cast %reduce_sum3A_465 : vector<512xi32> to vector<1x512xi32>
      %eq3A_467 = vector.broadcast %scan3A_449 : i32 to vector<32x512xi32>
      %eq3A_468 = arith.cmpi eq, %iota3A_402, %eq3A_467 : vector<32x512xi32>
      %broadcast_in_dim3A_469 = vector.shape_cast %broadcast_in_dim3A_454 : vector<1x512xf32> to vector<1x512xf32>
      %broadcast_in_dim3A_470 = vector.broadcast %broadcast_in_dim3A_469 : vector<1x512xf32> to vector<32x512xf32>
      %select_n3A_471 = arith.select %eq3A_468, %broadcast_in_dim3A_470, %scan3A_451 : vector<32x512xi1>, vector<32x512xf32>
      %broadcast_in_dim3A_472 = vector.shape_cast %broadcast_in_dim3A_466 : vector<1x512xi32> to vector<1x512xi32>
      %broadcast_in_dim3A_473 = vector.broadcast %broadcast_in_dim3A_472 : vector<1x512xi32> to vector<32x512xi32>
      %select_n3A_474 = arith.select %eq3A_468, %broadcast_in_dim3A_473, %scan3A_452 : vector<32x512xi1>, vector<32x512xi32>
      %jit3A_475 = arith.constant -1.000000e+30 : f32
      %broadcast_in_dim3A_476 = vector.broadcast %jit3A_475 : f32 to vector<128x512xf32>
      %select_n3A_477 = arith.select %eq3A_460, %broadcast_in_dim3A_476, %scan3A_450 : vector<128x512xi1>, vector<128x512xf32>
      scf.yield %select_n3A_477, %select_n3A_471, %select_n3A_474 : vector<128x512xf32>, vector<32x512xf32>, vector<32x512xi32>
    }
    %scan3A_412 = arith.constant 32 : i32
    %slice3A_413 = vector.extract_strided_slice %scan3A_411#1 {offsets = [0, 0], sizes = [1, 512], strides = [1, 1]} : vector<32x512xf32> to vector<1x512xf32>
    %sub3A = vector.broadcast %slice3A_413 : vector<1x512xf32> to vector<32x512xf32>
    %sub3A_414 = arith.subf %scan3A_411#1, %sub3A : vector<32x512xf32>
    %exp3A = math.exp %sub3A_414 : vector<32x512xf32>
    %reduce_sum3A = arith.constant dense<0.000000e+00> : vector<512xf32>
    %reduce_sum3A_415 = vector.multi_reduction <add>, %exp3A, %reduce_sum3A [0] : vector<32x512xf32> to vector<512xf32>
    %broadcast_in_dim3A_416 = vector.shape_cast %reduce_sum3A_415 : vector<512xf32> to vector<1x512xf32>
    %div3A = vector.broadcast %broadcast_in_dim3A_416 : vector<1x512xf32> to vector<32x512xf32>
    %div3A_417 = arith.divf %exp3A, %div3A : vector<32x512xf32>
    %slice3A_418 = vector.extract_strided_slice %div3A_417 {offsets = [0, 0], sizes = [32, 128], strides = [1, 1]} : vector<32x512xf32> to vector<32x128xf32>
    %swap3A = arith.constant 0 : index
    %swap3A_419 = arith.constant 0 : index
    %swap3A_420 = vector.load %arg6[%swap3A, %swap3A_419] : memref<128x128xf32, #tpu.memory_space<vmem>>, vector<32x128xf32>
    tpu.vector_store %arg6[%swap3A, %swap3A_419], %slice3A_418 {strides = array<i32>} : memref<128x128xf32, #tpu.memory_space<vmem>>, vector<32x128xf32>,
    %slice3A_421 = vector.extract_strided_slice %scan3A_411#2 {offsets = [0, 0], sizes = [32, 128], strides = [1, 1]} : vector<32x512xi32> to vector<32x128xi32>
    %swap3A_422 = arith.constant 0 : index
    %swap3A_423 = arith.constant 0 : index
    %swap3A_424 = vector.load %arg7[%swap3A_422, %swap3A_423] : memref<128x128xi32, #tpu.memory_space<vmem>>, vector<32x128xi32>
    tpu.vector_store %arg7[%swap3A_422, %swap3A_423], %slice3A_421 {strides = array<i32>} : memref<128x128xi32, #tpu.memory_space<vmem>>, vector<32x128xi32>,
    %slice3A_425 = vector.extract_strided_slice %div3A_417 {offsets = [0, 128], sizes = [32, 128], strides = [1, 1]} : vector<32x512xf32> to vector<32x128xf32>
    %swap3A_426 = arith.constant 32 : index
    %swap3A_427 = arith.constant 0 : index
    %swap3A_428 = vector.load %arg6[%swap3A_426, %swap3A_427] : memref<128x128xf32, #tpu.memory_space<vmem>>, vector<32x128xf32>
    tpu.vector_store %arg6[%swap3A_426, %swap3A_427], %slice3A_425 {strides = array<i32>} : memref<128x128xf32, #tpu.memory_space<vmem>>, vector<32x128xf32>,
    %slice3A_429 = vector.extract_strided_slice %scan3A_411#2 {offsets = [0, 128], sizes = [32, 128], strides = [1, 1]} : vector<32x512xi32> to vector<32x128xi32>
    %swap3A_430 = arith.constant 32 : index
    %swap3A_431 = arith.constant 0 : index
    %swap3A_432 = vector.load %arg7[%swap3A_430, %swap3A_431] : memref<128x128xi32, #tpu.memory_space<vmem>>, vector<32x128xi32>
    tpu.vector_store %arg7[%swap3A_430, %swap3A_431], %slice3A_429 {strides = array<i32>} : memref<128x128xi32, #tpu.memory_space<vmem>>, vector<32x128xi32>,
    %slice3A_433 = vector.extract_strided_slice %div3A_417 {offsets = [0, 256], sizes = [32, 128], strides = [1, 1]} : vector<32x512xf32> to vector<32x128xf32>
    %swap3A_434 = arith.constant 64 : index
    %swap3A_435 = arith.constant 0 : index
    %swap3A_436 = vector.load %arg6[%swap3A_434, %swap3A_435] : memref<128x128xf32, #tpu.memory_space<vmem>>, vector<32x128xf32>
    tpu.vector_store %arg6[%swap3A_434, %swap3A_435], %slice3A_433 {strides = array<i32>} : memref<128x128xf32, #tpu.memory_space<vmem>>, vector<32x128xf32>,
    %slice3A_437 = vector.extract_strided_slice %scan3A_411#2 {offsets = [0, 256], sizes = [32, 128], strides = [1, 1]} : vector<32x512xi32> to vector<32x128xi32>
    %swap3A_438 = arith.constant 64 : index
    %swap3A_439 = arith.constant 0 : index
    %swap3A_440 = vector.load %arg7[%swap3A_438, %swap3A_439] : memref<128x128xi32, #tpu.memory_space<vmem>>, vector<32x128xi32>
    tpu.vector_store %arg7[%swap3A_438, %swap3A_439], %slice3A_437 {strides = array<i32>} : memref<128x128xi32, #tpu.memory_space<vmem>>, vector<32x128xi32>,
    %slice3A_441 = vector.extract_strided_slice %div3A_417 {offsets = [0, 384], sizes = [32, 128], strides = [1, 1]} : vector<32x512xf32> to vector<32x128xf32>
    %swap3A_442 = arith.constant 96 : index
    %swap3A_443 = arith.constant 0 : index
    %swap3A_444 = vector.load %arg6[%swap3A_442, %swap3A_443] : memref<128x128xf32, #tpu.memory_space<vmem>>, vector<32x128xf32>
    tpu.vector_store %arg6[%swap3A_442, %swap3A_443], %slice3A_441 {strides = array<i32>} : memref<128x128xf32, #tpu.memory_space<vmem>>, vector<32x128xf32>,
    %slice3A_445 = vector.extract_strided_slice %scan3A_411#2 {offsets = [0, 384], sizes = [32, 128], strides = [1, 1]} : vector<32x512xi32> to vector<32x128xi32>
    %swap3A_446 = arith.constant 96 : index
    %swap3A_447 = arith.constant 0 : index
    %swap3A_448 = vector.load %arg7[%swap3A_446, %swap3A_447] : memref<128x128xi32, #tpu.memory_space<vmem>>, vector<32x128xi32>
    tpu.vector_store %arg7[%swap3A_446, %swap3A_447], %slice3A_445 {strides = array<i32>} : memref<128x128xi32, #tpu.memory_space<vmem>>, vector<32x128xi32>,
    return
  }
  func.func @transform_0(%arg0: i32) -> (i32, i32) {
    %c0_i32 = arith.constant 0 : i32
    %c0_i32_0 = arith.constant 0 : i32
    return %c0_i32, %arg0 : i32, i32
  }
  func.func @transform_1(%arg0: i32) -> (i32, i32) {
    %c0_i32 = arith.constant 0 : i32
    %c0_i32_0 = arith.constant 0 : i32
    %c0_i32_1 = arith.constant 0 : i32
    return %c0_i32, %c0_i32_0 : i32, i32
  }
  func.func @transform_2(%arg0: i32) -> (i32, i32) {
    %c0_i32 = arith.constant 0 : i32
    %c0_i32_0 = arith.constant 0 : i32
    %c0_i32_1 = arith.constant 0 : i32
    return %c0_i32, %c0_i32_0 : i32, i32
  }
  func.func @transform_3(%arg0: i32) -> (i32, i32, i32) {
    %c0_i32 = arith.constant 0 : i32
    %c0_i32_0 = arith.constant 0 : i32
    %c0_i32_1 = arith.constant 0 : i32
    %c0_i32_2 = arith.constant 0 : i32
    return %c0_i32, %c0_i32_0, %c0_i32_1 : i32, i32, i32
  }
  func.func @transform_4(%arg0: i32) -> (i32, i32, i32) {
    %c0_i32 = arith.constant 0 : i32
    %c0_i32_0 = arith.constant 0 : i32
    %c0_i32_1 = arith.constant 0 : i32
    %c0_i32_2 = arith.constant 0 : i32
    return %c0_i32, %c0_i32_0, %c0_i32_1 : i32, i32, i32
  }
  func.func @transform_5(%arg0: i32) -> (i32, i32) {
    %c0_i32 = arith.constant 0 : i32
    %c0_i32_0 = arith.constant 0 : i32
    return %c0_i32, %arg0 : i32, i32
  }
  func.func @transform_6(%arg0: i32) -> (i32, i32) {
    %c0_i32 = arith.constant 0 : i32
    %c0_i32_0 = arith.constant 0 : i32
    return %c0_i32, %arg0 : i32, i32
  }
}

module attributes {stable_mosaic.version = 14 : i64} {
  func.func @_stage_c_body(%arg0: i32, %arg1: memref<128x128x32xf32, #tpu.memory_space<vmem>>, %arg2: memref<128x128xf32, #tpu.memory_space<vmem>>, %arg3: memref<128x1024xf32, #tpu.memory_space<vmem>>, %arg4: memref<32x1024xf32, #tpu.memory_space<vmem>>, %arg5: memref<1x1024xf32, #tpu.memory_space<vmem>>, %arg6: memref<128x1024xf32, #tpu.memory_space<vmem>>) attributes {dimension_semantics = [#tpu.dimension_semantics<arbitrary>], iteration_bounds = array<i64: 64>, scalar_prefetch = 0 : i64, scratch_operands = 0 : i64, tpu.core_type = #tpu.core_type<tc>, window_params = [{transform_indices = @transform_0, window_bounds = array<i64: 128, 128, 32>}, {transform_indices = @transform_1, window_bounds = array<i64: 128, 128>}, {transform_indices = @transform_2, window_bounds = array<i64: 128, 1024>}, {pipeline_mode = #tpu.pipeline_mode<synchronous>, transform_indices = @transform_3, window_bounds = array<i64: 32, 1024>}, {pipeline_mode = #tpu.pipeline_mode<synchronous>, transform_indices = @transform_4, window_bounds = array<i64: 1, 1024>}, {transform_indices = @transform_5, window_bounds = array<i64: 128, 1024>}]} {
    %get3A = arith.constant 0 : index
    %get3A_0 = arith.constant 0 : index
    %get3A_1 = arith.constant 0 : index
    %get3A_2 = vector.load %arg1[%get3A, %get3A_0, %get3A_1] : memref<128x128x32xf32, #tpu.memory_space<vmem>>, vector<128x128x32xf32>
    %get3A_3 = arith.constant 0 : index
    %get3A_4 = arith.constant 0 : index
    %get3A_5 = vector.load %arg2[%get3A_3, %get3A_4] : memref<128x128xf32, #tpu.memory_space<vmem>>, vector<128x128xf32>
    %broadcast_in_dim3A = vector.shape_cast %get3A_5 : vector<128x128xf32> to vector<128x128x1xf32>
    %mul3A = vector.broadcast %broadcast_in_dim3A : vector<128x128x1xf32> to vector<128x128x32xf32>
    %mul3A_6 = arith.mulf %get3A_2, %mul3A : vector<128x128x32xf32>
    %reduce_sum3A = arith.constant dense<0.000000e+00> : vector<128x32xf32>
    %reduce_sum3A_7 = vector.multi_reduction <add>, %mul3A_6, %reduce_sum3A [0] : vector<128x128x32xf32> to vector<128x32xf32>
    %get3A_8 = arith.constant 0 : index
    %get3A_9 = arith.constant 0 : index
    %get3A_10 = vector.load %arg4[%get3A_8, %get3A_9] : memref<32x1024xf32, #tpu.memory_space<vmem>>, vector<32x1024xf32>
    %dot_general3A = arith.constant dense<0.000000e+00> : vector<128x1024xf32>
    %dot_general3A_11 = tpu.matmul %reduce_sum3A_7, %get3A_10, %dot_general3A {dimension_numbers = #tpu.dot_dimension_numbers<[1], [0], [0], [1], [0, 0, 1, 1], [], []>, transpose_lhs_hint = false} : vector<128x32xf32>, vector<32x1024xf32>, vector<128x1024xf32> -> vector<128x1024xf32>
    %get3A_12 = arith.constant 0 : index
    %get3A_13 = arith.constant 0 : index
    %get3A_14 = vector.load %arg5[%get3A_12, %get3A_13] : memref<1x1024xf32, #tpu.memory_space<vmem>>, vector<1x1024xf32>
    %add3A = vector.broadcast %get3A_14 : vector<1x1024xf32> to vector<128x1024xf32>
    %add3A_15 = arith.addf %dot_general3A_11, %add3A : vector<128x1024xf32>
    %get3A_16 = arith.constant 0 : index
    %get3A_17 = arith.constant 0 : index
    %get3A_18 = vector.load %arg3[%get3A_16, %get3A_17] : memref<128x1024xf32, #tpu.memory_space<vmem>>, vector<128x1024xf32>
    %add3A_19 = arith.addf %add3A_15, %get3A_18 : vector<128x1024xf32>
    %swap3A = arith.constant 0 : index
    %swap3A_20 = arith.constant 0 : index
    %swap3A_21 = vector.load %arg6[%swap3A, %swap3A_20] : memref<128x1024xf32, #tpu.memory_space<vmem>>, vector<128x1024xf32>
    tpu.vector_store %arg6[%swap3A, %swap3A_20], %add3A_19 {strides = array<i32>} : memref<128x1024xf32, #tpu.memory_space<vmem>>, vector<128x1024xf32>,
    return
  }
  func.func @transform_0(%arg0: i32) -> (i32, i32, i32) {
    %c0_i32 = arith.constant 0 : i32
    %c0_i32_0 = arith.constant 0 : i32
    %c0_i32_1 = arith.constant 0 : i32
    return %c0_i32, %arg0, %c0_i32_0 : i32, i32, i32
  }
  func.func @transform_1(%arg0: i32) -> (i32, i32) {
    %c0_i32 = arith.constant 0 : i32
    %c0_i32_0 = arith.constant 0 : i32
    return %c0_i32, %arg0 : i32, i32
  }
  func.func @transform_2(%arg0: i32) -> (i32, i32) {
    %c0_i32 = arith.constant 0 : i32
    %c0_i32_0 = arith.constant 0 : i32
    return %arg0, %c0_i32 : i32, i32
  }
  func.func @transform_3(%arg0: i32) -> (i32, i32) {
    %c0_i32 = arith.constant 0 : i32
    %c0_i32_0 = arith.constant 0 : i32
    %c0_i32_1 = arith.constant 0 : i32
    return %c0_i32, %c0_i32_0 : i32, i32
  }
  func.func @transform_4(%arg0: i32) -> (i32, i32) {
    %c0_i32 = arith.constant 0 : i32
    %c0_i32_0 = arith.constant 0 : i32
    %c0_i32_1 = arith.constant 0 : i32
    return %c0_i32, %c0_i32_0 : i32, i32
  }
  func.func @transform_5(%arg0: i32) -> (i32, i32) {
    %c0_i32 = arith.constant 0 : i32
    %c0_i32_0 = arith.constant 0 : i32
    return %arg0, %c0_i32 : i32, i32
  }
}

</mosaic_0001>

<sc_bundles>
// kernel: kernel.5.cloned.1.call-start
scs
__scs_entry_jumppad:
0x0: {  	(pc) =	sbr.rel $0x88, $3  }
0x1: {  	(tag) =	ssettag $0x0;
	lr =	simm.s32 $0x1  }
0x2: {  	[smem:$0x3F9A] =	sst lr;
	_ =	strace $0xD0000000  }
0x3: {  	_ = 	snop  }
0x4: {  	_ = 	snop  }
0x5: {  	_ = 	snop  }
0x6: {  	_ = 	snop  }
0x7: {  	_ = 	snop  }
__scs_overlays_trampoline_lowered:
0x8: {  	[smem:$0x3FA9] =	sst s0  }
0x9: {  	[smem:$0x3FAA] =	sst s1  }
0xa: {  	[smem:$0x3FAB] =	sst s2  }
0xb: {  	[smem:$0x3FAC] =	sst s3  }
0xc: {  	[smem:$0x3FAD] =	sst s4  }
0xd: {  	[smem:$0x3FAE] =	sst s5  }
0xe: {  	[smem:$0x3FAF] =	sst s6  }
0xf: {  	[smem:$0x3FB0] =	sst s7  }
0x10: {  	[smem:$0x3FB1] =	sst s8  }
0x11: {  	[smem:$0x3FB2] =	sst s9;
	s0 =	simm.s32 @!p0 $0x0  }
0x12: {  	s1 =	sld [smem:$0x3F98];
	s0 =	simm.s32 @p0 $0x1  }
0x13: {  	[smem:$0x3FB3] =	sst s0;
	s0 =	simm.s32 @!p1 $0x0  }
0x14: {  	s2 =	sld [smem:$0x3F97];
	s0 =	simm.s32 @p1 $0x1  }
0x15: {  	[smem:$0x3FB4] =	sst s0;
	s0 =	simm.s32 @!p2 $0x0  }
0x16: {  	s3 =	sld [smem:$0x3FDB];
	s0 =	simm.s32 @p2 $0x1  }
0x17: {  	s4 =	simm.s32 $0x1BF5;
	[smem:$0x3FB6] =	sst s0  }
0x18: {  	s0 =	sld [smem:$0x3F99];
	_ =	swait.ge [sflag:s4], $0x0  }
0x19: {  	s7 =	sld [smem:$0x3F9A]  }
0x1a: {  	s8 =	sadd.s32 $0xFFFFE003, lr  }
0x1b: {  	s9 =	sadd.s32 $0xFFFFFEF7, lr;
	s5 =	simm.s32 $0xFFFFFFFF;
	p2 =	slt.u32 s8, $0xFFFFF086  }
0x1c: {  	p1 =	slt.u32 s9, $0xF7A;
	s5 =	simm.s32 @!p2 $0x0  }
0x1d: {  	s5 =	simm.s32 @p1 $0x1;
	p0 =	seq.s32 s7, s2  }
0x1e: {  	s7 =	smul.u32 @!p0 $0xF7A, s2;
	p2 =	seq.s32 @!p0 s5, $0x0  }
0x1f: {  	s9 =	smul.u32 $0xF7A, s1;
	s8 =	simm.s32 @!p0 $0x1BF5;
	p2 =	por !p2, p0  }
0x20: {  	[sflag:s8] =	ssyncset.s32 @!p0 $0xFFFFF086;
	s6 =	sadd.s32 @!p0 s3, s7;
	s7 =	simm.s32 @!p0 $0x108  }
0x21: {  	s3 =	sadd.s32 s3, s9;
	s6 =	sadd.s32 @!p0 $0x88, s6;
	s7 =	simm.s32 @p2 $0x1082  }
0x22: {  	[simem:s7], [sflag:s8] =	dma.local @!p0 [hbm:s6], $0xF7A  }
0x23: {  	s9 =	sor.u32 $0xD0000000, s2;
	s6 =	simm.s32 $0x108;
	_ =	swait.ge @!p0 [sflag:s8], $0x0  }
0x24: {  	s3 =	sadd.s32 $0x88, s3;
	s6 =	simm.s32 @!p1 $0x1082;
	[sflag:s4] =	ssyncset.s32 $0xFFFFF086  }
0x25: {  	[simem:s6], [sflag:s4] =	dma.local [hbm:s3], $0xF7A  }
0x26: {  	[smem:$0x3F9A] =	sst s1;
	(tag) =	ssettag s2;
	_ =	strace s9  }
0x27: {  	s1 =	sld [smem:$0x3FAA]  }
0x28: {  	s2 =	sld [smem:$0x3FAB]  }
0x29: {  	s4 =	sld [smem:$0x3FAD]  }
0x2a: {  	p0 =	seq.s32 s5, $0x0;
	s5 =	sld [smem:$0x3FAE]  }
0x2b: {  	s6 =	sld [smem:$0x3FAF]  }
0x2c: {  	s7 =	sld [smem:$0x3FB0]  }
0x2d: {  	s3 =	simm.s32 $0x108;
	s8 =	sld [smem:$0x3FB1]  }
0x2e: {  	s3 =	simm.s32 @!p0 $0x1082;
	s9 =	sld [smem:$0x3FB2]  }
0x2f: {  	lr =	sadd.s32 s0, s3;
	s0 =	sld [smem:$0x3FA9]  }
0x30: {  	s3 =	sld [smem:$0x3FAC]  }
0x31: {  	[smem:$0x3FB5] =	sst s10  }
0x32: {  	s10 =	sld [smem:$0x3FB3];
	_ =	sdelay $0x3  }
0x33: {  	p0 =	seq.s32 s10, $0x1;
	s10 =	sld [smem:$0x3FB5];
	_ =	sdelay $0x3  }
0x34: {  	[smem:$0x3FB5] =	sst s10  }
0x35: {  	s10 =	sld [smem:$0x3FB4];
	_ =	sdelay $0x3  }
0x36: {  	p1 =	seq.s32 s10, $0x1;
	s10 =	sld [smem:$0x3FB5];
	_ =	sdelay $0x3  }
0x37: {  	[smem:$0x3FB5] =	sst s10  }
0x38: {  	s10 =	sld [smem:$0x3FB6]  }
0x39: {  	_ = 	snop;
	(pc) =	sbr.ind lr, $3  }
0x3a: {  	_ = 	snop  }
0x3b: {  	_ = 	snop  }
0x3c: {  	p2 =	seq.s32 s10, $0x1;
	s10 =	sld [smem:$0x3FB5]  }
0x3d: {  	_ =	shalt  }
0x3e: {  	_ =	shalt  }
0x3f: {  	_ =	shalt  }
0x40: {  	_ =	shalt  }
0x41: {  	_ =	shalt  }
0x42: {  	_ =	shalt  }
0x43: {  	_ =	shalt  }
0x44: {  	_ =	shalt  }
0x45: {  	_ =	shalt  }
0x46: {  	_ =	shalt  }
0x47: {  	_ =	shalt  }
0x48: {  	_ =	shalt  }
0x49: {  	_ =	shalt  }
0x4a: {  	_ =	shalt  }
0x4b: {  	_ =	shalt  }
0x4c: {  	_ =	shalt  }
0x4d: {  	_ =	shalt  }
0x4e: {  	_ =	shalt  }
0x4f: {  	_ =	shalt  }
0x50: {  	_ =	shalt  }
0x51: {  	_ =	shalt  }
0x52: {  	_ =	shalt  }
0x53: {  	_ =	shalt  }
0x54: {  	_ =	shalt  }
0x55: {  	_ =	shalt  }
0x56: {  	_ =	shalt  }
0x57: {  	_ =	shalt  }
0x58: {  	_ =	shalt  }
0x59: {  	_ =	shalt  }
0x5a: {  	_ =	shalt  }
0x5b: {  	_ =	shalt  }
0x5c: {  	_ =	shalt  }
0x5d: {  	_ =	shalt  }
0x5e: {  	_ =	shalt  }
0x5f: {  	_ =	shalt  }
0x60: {  	_ =	shalt  }
0x61: {  	_ =	shalt  }
0x62: {  	_ =	shalt  }
0x63: {  	_ =	shalt  }
0x64: {  	_ =	shalt  }
0x65: {  	_ =	shalt  }
0x66: {  	_ =	shalt  }
0x67: {  	_ =	shalt  }
0x68: {  	_ =	shalt  }
0x69: {  	_ =	shalt  }
0x6a: {  	_ =	shalt  }
0x6b: {  	_ =	shalt  }
0x6c: {  	_ =	shalt  }
0x6d: {  	_ =	shalt  }
0x6e: {  	_ =	shalt  }
0x6f: {  	_ =	shalt  }
0x70: {  	_ =	shalt  }
0x71: {  	_ =	shalt  }
0x72: {  	_ =	shalt  }
0x73: {  	_ =	shalt  }
0x74: {  	_ =	shalt  }
0x75: {  	_ =	shalt  }
0x76: {  	_ =	shalt  }
0x77: {  	_ =	shalt  }
0x78: {  	_ =	shalt  }
0x79: {  	_ =	shalt  }
0x7a: {  	_ =	shalt  }
0x7b: {  	_ =	shalt  }
0x7c: {  	_ =	shalt  }
0x7d: {  	_ =	shalt  }
0x7e: {  	_ =	shalt  }
0x7f: {  	_ =	shalt  }
0x80: {  	_ =	shalt  }
0x81: {  	_ =	shalt  }
0x82: {  	_ =	shalt  }
0x83: {  	_ =	shalt  }
0x84: {  	_ =	shalt  }
0x85: {  	_ =	shalt  }
0x86: {  	_ =	shalt  }
0x87: {  	_ =	shalt  }
.Lfunc_end0:
.L_simem_size_0:
called_computation_lowered:
.L_overlay_start_0:
0x88: {  	s2 =	sld [smem:$0x3FD9]  }
0x89: {  	s3 =	sld [smem:$0x3FFE];
	_ =	sdelay $0x1  }
0x8a: {  	s1 =	srdreg.scid  }
0x8b: {  	s0 =	sand.u32 $0x1, s1  }
0x8c: {  	s17 =	sshll.u32 s0, $0xA;
	s2 =	sadd.s32 s3, s2  }
0x8d: {  	s2 =	sadd.s32 s2, s17  }
0x8e: {  	[smem:$0x3FC1] =	sst s2  }
0x8f: {  	_ = 	snop  }
0x90: {  	s2 =	sld [smem:$0x3FD0];
	(tm) =	ssettm $0x1  }
0x91: {  	s18 =	sld [smem:$0x3FFB];
	_ =	sdelay $0x3  }
0x92: {  	_ =	strace s18  }
0x93: {  	s3 =	sld [smem:$0x3FFC];
	_ =	sdelay $0x3  }
0x94: {  	_ =	strace s3  }
0x95: {  	s3 =	sld [smem:$0x3FFD];
	_ =	sdelay $0x3  }
0x96: {  	_ =	strace s3  }
0x97: {  	_ =	strace $0x8FFFFFFF  }
0x98: {  	s19 =	sld [smem:$0x3FDB];
	_ =	sdelay $0x1  }
0x99: {  	s4 =	simm.s32 $_scs_section_size  }
0x9a: {  	s5 =	simm.s32 $_size__tile_overlayer_lowered;
	s6 =	simm.s32 $_tile_overlayer_lowered  }
0x9b: {  	s22 =	simm.s32 $0x1BFF;
	s21 =	sshll.u32 s6, $0x1;
	s3 =	sadd.s32 s4, s19  }
0x9c: {  	s7 =	simm.s32 $0x0;
	s20 =	sshll.u32 s5, $0x1;
	s5 =	sadd.s32 s21, s3  }
0x9d: {  	[timem:s7], [sflag:s22] =	dma.local [hbm:s5], s20  }
0x9e: {  	_ =	swait.ge [sflag:s22], s20  }
0x9f: {  	s4 =	ssub.s32 $0x0, s20;
	[sflag:s22] =	ssyncset.done $0x0  }
0xa0: {  	[sflag:s22] =	ssyncadd.s32 s4;
	_ =	sdelay $0x1  }
0xa1: {  	s23 =	simm.s32 $0x1B8B  }
0xa2: {  	_ =	swait.ge [sflag:s23], $0x1  }
0xa3: {  	[sflag:s23] =	ssyncset.done $0x0  }
0xa4: {  	s25 =	simm.s32 $0x1B8E;
	s24 =	sld [smem:$0x3FFE];
	[sflag:s23] =	ssyncadd.s32 $0xFFFFFFFF  }
0xa5: {  	s26 =	simm.s32 $execute0_lowered;
	[smem:$0x3FD2] =	sst s25  }
0xa6: {  	s5 =	sshll.u32 s26, $0x1;
	_ =	strace $0x80000046;
	[dreg:$0x1] =	wrdreg $0xFFFFFFFF  }
0xa7: {  	s28 =	simm.s32 $_size_execute0_lowered;
	s3 =	sadd.s32 s3, s5;
	[dreg:$0x0] =	wrdreg $0x0  }
0xa8: {  	s5 =	sshll.u32 s28, $0x1;
	[dreg:$0x2] =	wrdreg s3  }
0xa9: {  	[dreg:$0x3] =	wrdreg s5  }
0xaa: {  	[dreg:$0x4] =	wrdreg $0xC0  }
0xab: {  	_ =	task [dreg:s7], $0x5FFFF  }
0xac: {  	[dreg:$0x1] =	wrdreg $0xFFFFFFFF  }
0xad: {  	[dreg:$0x0] =	wrdreg $0x60  }
0xae: {  	[dreg:$0x2] =	wrdreg s24  }
0xaf: {  	[dreg:$0x3] =	wrdreg s2  }
0xb0: {  	[dreg:$0x4] =	wrdreg $0x9  }
0xb1: {  	_ =	task.clear_ibuf [dreg:s7], $0x5FFFF;
	_ =	strace $0x90000046  }
0xb2: {  	s29 =	simm.s32 $0x9;
	_ =	strace $0x80000048  }
0xb3: {  	_ =	swait.ge [sflag:s29], $0x1  }
0xb4: {  	[sflag:s29] =	ssyncadd.s32 $0xFFFFFFFF  }
0xb5: {  	_ =	strace $0x90000048  }
0xb6: {  	_ =	sfence  }
0xb7: {  	s30 =	sld [smem:$0x0];
	_ =	sdelay $0x2  }
0xb8: {  	s31 =	sshll.u32 s1, $0xD;
	s1 =	sshrl.u32 s1, $0x2  }
0xb9: {  	s3 =	sand.u32 $0x4000, s31;
	s1 =	sadd.s32 s1, s30  }
0xba: {  	s0 =	sor.u32 s3, s0;
	s1 =	sshll.u32 s1, $0x11  }
0xbb: {  	s0 =	sor.u32 s1, s0  }
0xbc: {  	s0 =	sadd.s32 $0x8F2B, s0  }
0xbd: {  	[sflag:s0] =	ssyncadd.remote.s32 $0x1  }
0xbe: {  	_ =	sfence.sel $0xFFFF  }
0xbf: {  	[dreg:$0x0] =	wrdreg $0xFFFFFFFF;
	(pc) =	sbr.abs _section_cstart, $3  }
0xc0: {  	[dreg:$0x1] =	wrdreg $0xFFFFFFFF  }
0xc1: {  	_ =	task.clear_ibuf [dreg:s7], $0x2FFFF;
	_ =	strace $0x9FFFFFFF  }
0xc2: {  	(tm) =	ssettm $0x7FFFFFFF  }
0xc3: {  	_ =	shalt  }
tec
execute0_lowered:
.L_overlay_start_1:
0x0: {  	(tag) =	ssettag $0x1  }
0x1: {  	s4 =	rddreg [dreg:$0x0]  }
0x2: {  	s6 =	rddreg [dreg:$0x1]  }
0x3: {  	s0 =	rddreg [dreg:$0x2];
	s2 =	simm.s32 $0x0;
	s1 =	stileid.u32  }
0x4: {  	s3 =	srdreg.scid;
	[smem:$0x7FF] =	sst s2  }
0x5: {  	s5 =	sshll.u32 s1, $0x12;
	s7 =	sand.u32 $0x1, s3;
	s3 =	sadd.s32 $0x1001600, s4  }
0x6: {  	s9 =	sshll.u32 s1, $0x10;
	_ =	strace $0x80000047;
	s5 =	sadd.s32 s5, s4  }
0x7: {  	s29 =	ssub.s32 $0x2, s7;
	s10 =	sshll.u32 s7, $0xF;
	s7 =	sshll.u32 s7, $0x11  }
0x8: {  	s8 =	sshrl.u32 s29, $0x1;
	s30 =	sor.u32 s10, s9;
	s5 =	sadd.s32 s7, s5  }
0x9: {  	s7 =	simm.s32 $0x2;
	s9 =	simm.s32 $0x1;
	s10 =	simm.s32 $0x0  }
0xa: {  	s4 =	ssub.s32 s29, s8;
	s31 =	sshrl.u32 s30, $0x3;
	s5 =	sadd.s32 $0x21600, s5  }
0xb: {  	s8 =	simm.s32 $0x800;
	s4 =	smax.u32 s4, $0x1;
	s6 =	sadd.s32 s31, s6  }
.LBB2_1:
0xc: {  	s11 =	sadd.s32 $0x0, s6  }
0xd: {  	[tilespmem:s2], [sflag:$0x2] =	stream.linear.gather [hbm4b:s11+s2], $0x800, $0x38;
	[tilespmem:$0x10800] =	vst v63  }
0xe: {  	_ =	swait.ge [sflag:s7], $0x800  }
0xf: {  	[sflag:s7] =	ssyncset.done $0x0  }
0x10: {  	[sflag:s7] =	ssyncadd.s32 $0xFFFFF800  }
0x11: {  	[tilespmem:s8], [sflag:$0x1] =	stream.indirect.gather [hbm4b:s3+s8], $0x20, s2, s8, $0xb8;
	[tilespmem:$0x10800] =	vst v63  }
0x12: {  	_ =	swait.ge [sflag:s9], $0x10000  }
0x13: {  	[sflag:s9] =	ssyncset.done $0x0  }
0x14: {  	[sflag:s9] =	ssyncadd.s32 $0xFFFF0000  }
0x15: {  	[hbm4b:s5+s2] =	stream.linear.scatter [tilespmem:s8], [sflag:$0x2], $0x10000, $0x38;
	[tilespmem:$0x10800] =	vst v63  }
0x16: {  	s12 =	simm.s32 $0x100;
	_ =	swait.ge [sflag:s7], $0x10000  }
0x17: {  	s13 =	simm.s32 $0x200;
	s11 =	sadd.s32 $0x2000, s5;
	[sflag:s7] =	ssyncset.done $0x0  }
.LBB2_2:
0x18: {  	s14 =	sadd.s32 s12, s6  }
0x19: {  	[sflag:s7] =	ssyncadd.s32 $0xFFFF0000;
	s12 =	smov.u32 s13;
	s15 =	sadd.s32 $0x100, s13  }
0x1a: {  	[tilespmem:s2], [sflag:$0x2] =	stream.linear.gather [hbm4b:s14+s2], $0x800, $0x38;
	[tilespmem:$0x10800] =	vst v63  }
0x1b: {  	p0 =	sne.s32 s13, $0xF00;
	_ =	swait.ge [sflag:s7], $0x800  }
0x1c: {  	[sflag:s7] =	ssyncset.done $0x0  }
0x1d: {  	[sflag:s7] =	ssyncadd.s32 $0xFFFFF800  }
0x1e: {  	[tilespmem:s8], [sflag:$0x1] =	stream.indirect.gather [hbm4b:s3+s8], $0x20, s2, s8, $0xb8;
	[tilespmem:$0x10800] =	vst v63  }
0x1f: {  	_ =	swait.ge [sflag:s9], $0x10000  }
.Ltmp0:
0x20: {  	[sflag:s9] =	ssyncset.done $0x0;
	(pc) =	sbr.rel @p0 .LBB2_2-.Ltmp0, $4  }
0x21: {  	[sflag:s9] =	ssyncadd.s32 $0xFFFF0000  }
0x22: {  	[hbm4b:s11+s2] =	stream.linear.scatter [tilespmem:s8], [sflag:$0x2], $0x10000, $0x38;
	[tilespmem:$0x10800] =	vst v63  }
0x23: {  	_ =	swait.ge [sflag:s7], $0x10000  }
0x24: {  	s13 =	smov.u32 s15;
	s11 =	sadd.s32 $0x2000, s11;
	[sflag:s7] =	ssyncset.done $0x0  }
0x25: {  	s12 =	sadd.s32 s12, s6;
	[sflag:s7] =	ssyncadd.s32 $0xFFFF0000  }
0x26: {  	[tilespmem:s2], [sflag:$0x2] =	stream.linear.gather [hbm4b:s12+s2], $0x800, $0x38;
	[tilespmem:$0x10800] =	vst v63  }
0x27: {  	_ =	swait.ge [sflag:s7], $0x800  }
0x28: {  	[sflag:s7] =	ssyncset.done $0x0  }
0x29: {  	[sflag:s7] =	ssyncadd.s32 $0xFFFFF800  }
0x2a: {  	[tilespmem:s8], [sflag:$0x1] =	stream.indirect.gather [hbm4b:s3+s8], $0x20, s2, s8, $0xb8;
	[tilespmem:$0x10800] =	vst v63  }
0x2b: {  	s10 =	sadd.s32 $0x1, s10;
	_ =	swait.ge [sflag:s9], $0x10000  }
0x2c: {  	p0 =	sne.s32 s10, s4;
	[sflag:s9] =	ssyncset.done $0x0  }
.Ltmp1:
0x2d: {  	[sflag:s9] =	ssyncadd.s32 $0xFFFF0000;
	(pc) =	sbr.rel @p0 .LBB2_1-.Ltmp1, $4  }
0x2e: {  	[hbm4b:s11+s2] =	stream.linear.scatter [tilespmem:s8], [sflag:$0x2], $0x10000, $0x38;
	[tilespmem:$0x10800] =	vst v63  }
0x2f: {  	_ =	swait.ge [sflag:s7], $0x10000  }
0x30: {  	[sflag:s7] =	ssyncset.done $0x0  }
0x31: {  	[sflag:s7] =	ssyncadd.s32 $0xFFFF0000  }
0x32: {  	_ =	sfence.sel $0x180000  }
0x33: {  	[bflag:$0x0] =	sbarrier.arrive $0xFFFF  }
0x34: {  	p0 =	sne.s32 s1, $0x0;
	_ =	strace $0x90000047  }
0x35: {  	s0 =	sadd.s32 @!p0 $0x100000, s0;
	[bflag:$0x2] =	sbarrier.arrive $0xFFFF  }
0x36: {  	[sflag:s0] =	ssyncadd.tile.s32 @!p0 $0x1;
	_ =	shalt  }
.Lfunc_end2:
_tile_overlayer_lowered:
.L_overlay_start_2:
0x37: {  	(tag) =	ssettag $0x2  }
0x38: {  	s0 =	rddreg [dreg:$0x0];
	s2 =	stileid.u32  }
0x39: {  	s1 =	rddreg [dreg:$0x1];
	p0 =	sne.s32 s2, $0x0  }
0x3a: {  	s3 =	rddreg [dreg:$0x2];
	[bflag:$0x3] =	sbarrier.arrive $0xFFFF;
	s2 =	simm.s32 @!p0 $0x1C02  }
0x3b: {  	[timem:s3], [sflag:s2] =	dma.local @!p0 [hbm:s0], s1  }
0x3c: {  	s0 =	simm.s32 @!p0 $0x2  }
0x3d: {  	_ =	swait.ge @!p0 [sflag:s0], s1  }
0x3e: {  	s1 =	ssub.s32 @!p0 $0x0, s1;
	[sflag:s0] =	ssyncset.done @!p0 $0x0  }
0x3f: {  	[sflag:s0] =	ssyncadd.s32 @!p0 s1  }
0x40: {  	[bflag:$0x3] =	sbarrier.arrive $0xFFFF  }
0x41: {  	_ =	shalt  }

</sc_bundles>
